<compile_context>
chip_gen: v7x
topology: tpu7x:2x2x1
jax: 0.10.2.dev20260603
libtpu: 0.0.44.dev20260713+nightly
codegen_flags: <defaults>
</compile_context>

<pallas_src>
import functools

import jax
import jax.numpy as jnp
from jax import lax
from jax.experimental import pallas as pl
from jax.experimental.pallas import tpu as pltpu
from jax.experimental.pallas import tpu_sc as plsc

B, T, D = 4096, 200, 32
NC, NS = 2, 16
NW = NC * NS
JB = B // NW
OS = JB + 1
TT = 2
NBLK = T // TT

_mesh = plsc.VectorSubcoreMesh(core_axis_name="c", subcore_axis_name="s")


@functools.partial(
    pl.kernel,
    mesh=_mesh,
    out_type=[
        jax.ShapeDtypeStruct((T, 4, NW, 8, JB), jnp.float32),
        jax.ShapeDtypeStruct((T, 4, NW, 8, JB), jnp.float32),
    ],
    scratch_types=[
        pltpu.VMEM((T, 1, JB), jnp.int32),
        pltpu.VMEM((T, 1, JB), jnp.int32),
        [pltpu.VMEM((JB, D), jnp.float32) for _ in range(4)],
        [pltpu.VMEM((JB, D), jnp.float32) for _ in range(4)],
        [pltpu.VMEM((TT, 4, 1, 8, OS), jnp.float32) for _ in range(2)],
        [pltpu.VMEM((TT, 4, 1, 8, OS), jnp.float32) for _ in range(2)],
        [pltpu.SemaphoreType.DMA for _ in range(4)],
        [pltpu.SemaphoreType.DMA for _ in range(4)],
        [pltpu.SemaphoreType.DMA for _ in range(2)],
        [pltpu.SemaphoreType.DMA for _ in range(2)],
    ],
    compiler_params=pltpu.CompilerParams(
        use_tc_tiling_on_sc=False, needs_layout_passes=False),
)
def _gather_pair(item_idx, cat_idx, w_item, w_cat, out_i, out_c,
                 idx_i, idx_c, g_i, g_c, o_i, o_c,
                 gsem_i, gsem_c, wsem_i, wsem_c):
    w = lax.axis_index("s") * NC + lax.axis_index("c")

    iota16 = lax.iota(jnp.int32, 16)
    q16 = [iota16 // 8, iota16 // 8 + 2]
    dl16 = iota16 % 8
    z16 = jnp.zeros((16,), jnp.int32)
    tt16 = [jnp.full((16,), tt, jnp.int32) for tt in range(TT)]

    def fire(t, gp):
        pltpu.async_copy(w_item.at[idx_i.at[t, 0]], g_i[gp], gsem_i[gp])
        pltpu.async_copy(w_cat.at[idx_c.at[t, 0]], g_c[gp], gsem_c[gp])

    def transpose_t(gp, ob, tt):
        ROWS = 4

        def body(i, _):
            b0 = i * ROWS
            bs = [jnp.full((16,), b0 + n, jnp.int32) for n in range(ROWS)]
            for h in range(2):
                vi = [g_i[gp][b0 + n, pl.ds(16 * h, 16)] for n in range(ROWS)]
                vc = [g_c[gp][b0 + n, pl.ds(16 * h, 16)] for n in range(ROWS)]
                for n in range(ROWS):
                    plsc.store_scatter(
                        o_i[ob], [tt16[tt], q16[h], z16, dl16, bs[n]], vi[n])
                for n in range(ROWS):
                    plsc.store_scatter(
                        o_c[ob], [tt16[tt], q16[h], z16, dl16, bs[n]], vc[n])
            return ()

        lax.fori_loop(0, JB // ROWS, body, ())

    def drain_gathers(gp):
        pltpu.make_async_copy(w_item.at[pl.ds(0, JB)],
                              g_i[gp], gsem_i[gp]).wait()
        pltpu.make_async_copy(w_cat.at[pl.ds(0, JB)],
                              g_c[gp], gsem_c[gp]).wait()

    def drain_writes(ob):
        pltpu.make_async_copy(o_i[ob].at[:, :, :, :, pl.ds(0, JB)],
                              out_i.at[pl.ds(0, TT), :, pl.ds(0, 1)],
                              wsem_i[ob]).wait()
        pltpu.make_async_copy(o_c[ob].at[:, :, :, :, pl.ds(0, JB)],
                              out_c.at[pl.ds(0, TT), :, pl.ds(0, 1)],
                              wsem_c[ob]).wait()

    def fire_writes(blk, ob):
        t0 = blk * TT
        pltpu.async_copy(o_i[ob].at[:, :, :, :, pl.ds(0, JB)],
                         out_i.at[pl.ds(t0, TT), :, pl.ds(w, 1)], wsem_i[ob])
        pltpu.async_copy(o_c[ob].at[:, :, :, :, pl.ds(0, JB)],
                         out_c.at[pl.ds(t0, TT), :, pl.ds(w, 1)], wsem_c[ob])

    pltpu.sync_copy(item_idx.at[:, pl.ds(w, 1)], idx_i)
    pltpu.sync_copy(cat_idx.at[:, pl.ds(w, 1)], idx_c)
    for t0 in range(3):
        fire(t0, t0)

    def two_blocks(i, _):
        for ob in range(2):
            blk = 2 * i + ob

            @pl.when(blk >= 2)
            def _(ob=ob):
                drain_writes(ob)

            for tt in range(TT):
                t = blk * TT + tt
                gp = (2 * ob + tt) % 4

                @pl.when(t + 3 < T)
                def _(t=t, gp=gp):
                    fire(t + 3, (gp + 3) % 4)

                drain_gathers(gp)
                transpose_t(gp, ob, tt)

            fire_writes(blk, ob)
        return ()

    lax.fori_loop(0, NBLK // 2, two_blocks, ())
    drain_writes(0)
    drain_writes(1)


def kernel(item_id, cat_id, price, discount, W_item, W_cat):
    item_idx = item_id.T.reshape(T, NW, JB).astype(jnp.int32)
    cat_idx = cat_id.T.reshape(T, NW, JB).astype(jnp.int32)
    li, lc = _gather_pair(item_idx, cat_idx, W_item, W_cat)

    def unpack(l):
        return l.transpose(2, 4, 0, 1, 3).reshape(B, T, D)

    return (unpack(li), unpack(lc), price[..., None], discount[..., None])

# --- scband reference (transcript-rebuilt; emitter-appended) ---
"""Pipeline reference for scband-temporal-variable-encoder-72206990180480 (READ-ONLY COPY).

The authoritative reference and input builder live on the scoring server;
editing this copy changes nothing except your own understanding.
"""

import jax, jax.numpy as jnp
import numpy as np

B, T = 4096, 200
V_ITEM, V_CAT, D = 1000000, 100000, 32

def setup_inputs(seed: int = 0) -> dict:
    key = jax.random.key(seed)
    k1, k2, k3, k4, k5, k6 = jax.random.split(key, 6)
    item_id = jax.random.randint(k1, (B, T), 0, V_ITEM)
    cat_id = jax.random.randint(k2, (B, T), 0, V_CAT)
    price = jax.random.normal(k3, (B, T), dtype=jnp.float32)
    discount = jax.random.normal(k4, (B, T), dtype=jnp.float32)
    W_item = jax.random.normal(k5, (V_ITEM, D), dtype=jnp.float32) * 0.02
    W_cat = jax.random.normal(k6, (V_CAT, D), dtype=jnp.float32) * 0.02
    return {"item_id": item_id, "cat_id": cat_id, "price": price, "discount": discount, "W_item": W_item, "W_cat": W_cat}

def reference(item_id, cat_id, price, discount, W_item, W_cat):
    # MultiEmbedding: plain nn.Embedding lookup per categorical temporal feature
    item_emb = jnp.take(W_item, item_id, axis=0)   # [B, T, D]
    cat_emb = jnp.take(W_cat, cat_id, axis=0)      # [B, T, D]
    # temporal reals: 2-D tensors get unsqueezed to [B, T, 1]
    price_v = price[..., None]
    discount_v = discount[..., None]
    # returned dict order in torch: embeddings first, then reals; emit as tuple
    return (item_emb, cat_emb, price_v, discount_v)

if __name__ == "__main__":
    import jax
    _d = setup_inputs()
    print(jax.jit(kernel)(*tuple(_d.values())))

</pallas_src>

<mosaic_0001>
#map = affine_map<(d0, d1) -> (0, 0, 0)>
#map1 = affine_map<(d0, d1) -> (0, 0)>
#map2 = affine_map<(d0, d1) -> (0, 0, 0, 0, 0)>
module attributes {stable_mosaic.version = 14 : i64} {
  func.func @_gather_pair(%arg0: i32, %arg1: i32, %arg2: memref<200x32x128xi32, #tpu.memory_space<hbm>>, %arg3: memref<200x32x128xi32, #tpu.memory_space<hbm>>, %arg4: memref<1000000x32xf32, #tpu.memory_space<hbm>>, %arg5: memref<100000x32xf32, #tpu.memory_space<hbm>>, %arg6: memref<200x4x32x8x128xf32, #tpu.memory_space<hbm>>, %arg7: memref<200x4x32x8x128xf32, #tpu.memory_space<hbm>>, %arg8: memref<200x1x128xi32, #tpu.memory_space<vmem>>, %arg9: memref<200x1x128xi32, #tpu.memory_space<vmem>>, %arg10: memref<128x32xf32, #tpu.memory_space<vmem>>, %arg11: memref<128x32xf32, #tpu.memory_space<vmem>>, %arg12: memref<128x32xf32, #tpu.memory_space<vmem>>, %arg13: memref<128x32xf32, #tpu.memory_space<vmem>>, %arg14: memref<128x32xf32, #tpu.memory_space<vmem>>, %arg15: memref<128x32xf32, #tpu.memory_space<vmem>>, %arg16: memref<128x32xf32, #tpu.memory_space<vmem>>, %arg17: memref<128x32xf32, #tpu.memory_space<vmem>>, %arg18: memref<2x4x1x8x129xf32, #tpu.memory_space<vmem>>, %arg19: memref<2x4x1x8x129xf32, #tpu.memory_space<vmem>>, %arg20: memref<2x4x1x8x129xf32, #tpu.memory_space<vmem>>, %arg21: memref<2x4x1x8x129xf32, #tpu.memory_space<vmem>>, %arg22: memref<!tpu.dma_semaphore, #tpu.memory_space<semaphore_mem>>, %arg23: memref<!tpu.dma_semaphore, #tpu.memory_space<semaphore_mem>>, %arg24: memref<!tpu.dma_semaphore, #tpu.memory_space<semaphore_mem>>, %arg25: memref<!tpu.dma_semaphore, #tpu.memory_space<semaphore_mem>>, %arg26: memref<!tpu.dma_semaphore, #tpu.memory_space<semaphore_mem>>, %arg27: memref<!tpu.dma_semaphore, #tpu.memory_space<semaphore_mem>>, %arg28: memref<!tpu.dma_semaphore, #tpu.memory_space<semaphore_mem>>, %arg29: memref<!tpu.dma_semaphore, #tpu.memory_space<semaphore_mem>>, %arg30: memref<!tpu.dma_semaphore, #tpu.memory_space<semaphore_mem>>, %arg31: memref<!tpu.dma_semaphore, #tpu.memory_space<semaphore_mem>>, %arg32: memref<!tpu.dma_semaphore, #tpu.memory_space<semaphore_mem>>, %arg33: memref<!tpu.dma_semaphore, #tpu.memory_space<semaphore_mem>>) attributes {dimension_semantics = [#tpu.dimension_semantics<core_parallel>, #tpu.dimension_semantics<subcore_parallel>], iteration_bounds = array<i64: 2, 16>, scalar_prefetch = 0 : i64, scratch_operands = 26 : i64, tpu.core_type = #tpu.core_type<sc_vector_subcore>, window_params = [{transform_indices = #map}, {transform_indices = #map}, {transform_indices = #map1}, {transform_indices = #map1}, {transform_indices = #map2}, {transform_indices = #map2}]} {
    %mul3A = arith.constant 2 : i32
    %mul3A_0 = arith.muli %arg1, %mul3A : i32
    %add3A = arith.addi %mul3A_0, %arg0 : i32
    %iota3A = tpu.iota {dimensions = array<i32: 0>} : vector<16xi32>
    %jit3A = arith.constant 8 : i32
    %div3A = vector.broadcast %jit3A : i32 to vector<16xi32>
    %div3A_1 = arith.divsi %iota3A, %div3A : vector<16xi32>
    %sign3A = arith.constant 0 : i32
    %sign3A_2 = vector.broadcast %sign3A : i32 to vector<16xi32>
    %sign3A_3 = arith.cmpi sgt, %iota3A, %sign3A_2 : vector<16xi32>
    %sign3A_4 = arith.extui %sign3A_3 : vector<16xi1> to vector<16xi32>
    %sign3A_5 = arith.constant 0 : i32
    %sign3A_6 = vector.broadcast %sign3A_5 : i32 to vector<16xi32>
    %sign3A_7 = arith.cmpi slt, %iota3A, %sign3A_6 : vector<16xi32>
    %sign3A_8 = arith.extui %sign3A_7 : vector<16xi1> to vector<16xi32>
    %sign3A_9 = arith.subi %sign3A_4, %sign3A_8 : vector<16xi32>
    %sign3A_10 = arith.constant 0 : i32
    %sign3A_11 = arith.cmpi sgt, %jit3A, %sign3A_10 : i32
    %sign3A_12 = arith.extui %sign3A_11 : i1 to i32
    %sign3A_13 = arith.constant 0 : i32
    %sign3A_14 = arith.cmpi slt, %jit3A, %sign3A_13 : i32
    %sign3A_15 = arith.extui %sign3A_14 : i1 to i32
    %sign3A_16 = arith.subi %sign3A_12, %sign3A_15 : i32
    %ne3A = vector.broadcast %sign3A_16 : i32 to vector<16xi32>
    %ne3A_17 = arith.cmpi ne, %sign3A_9, %ne3A : vector<16xi32>
    %rem3A = vector.broadcast %jit3A : i32 to vector<16xi32>
    %rem3A_18 = arith.remsi %iota3A, %rem3A : vector<16xi32>
    %ne3A_19 = arith.constant 0 : i32
    %ne3A_20 = vector.broadcast %ne3A_19 : i32 to vector<16xi32>
    %ne3A_21 = arith.cmpi ne, %rem3A_18, %ne3A_20 : vector<16xi32>
    %and3A = arith.andi %ne3A_17, %ne3A_21 : vector<16xi1>
    %sub3A = arith.constant 1 : i32
    %sub3A_22 = vector.broadcast %sub3A : i32 to vector<16xi32>
    %sub3A_23 = arith.subi %div3A_1, %sub3A_22 : vector<16xi32>
    %select_n3A = arith.select %and3A, %sub3A_23, %div3A_1 : vector<16xi1>, vector<16xi32>
    %jit3A_24 = arith.constant 8 : i32
    %div3A_25 = vector.broadcast %jit3A_24 : i32 to vector<16xi32>
    %div3A_26 = arith.divsi %iota3A, %div3A_25 : vector<16xi32>
    %sign3A_27 = arith.constant 0 : i32
    %sign3A_28 = vector.broadcast %sign3A_27 : i32 to vector<16xi32>
    %sign3A_29 = arith.cmpi sgt, %iota3A, %sign3A_28 : vector<16xi32>
    %sign3A_30 = arith.extui %sign3A_29 : vector<16xi1> to vector<16xi32>
    %sign3A_31 = arith.constant 0 : i32
    %sign3A_32 = vector.broadcast %sign3A_31 : i32 to vector<16xi32>
    %sign3A_33 = arith.cmpi slt, %iota3A, %sign3A_32 : vector<16xi32>
    %sign3A_34 = arith.extui %sign3A_33 : vector<16xi1> to vector<16xi32>
    %sign3A_35 = arith.subi %sign3A_30, %sign3A_34 : vector<16xi32>
    %sign3A_36 = arith.constant 0 : i32
    %sign3A_37 = arith.cmpi sgt, %jit3A_24, %sign3A_36 : i32
    %sign3A_38 = arith.extui %sign3A_37 : i1 to i32
    %sign3A_39 = arith.constant 0 : i32
    %sign3A_40 = arith.cmpi slt, %jit3A_24, %sign3A_39 : i32
    %sign3A_41 = arith.extui %sign3A_40 : i1 to i32
    %sign3A_42 = arith.subi %sign3A_38, %sign3A_41 : i32
    %ne3A_43 = vector.broadcast %sign3A_42 : i32 to vector<16xi32>
    %ne3A_44 = arith.cmpi ne, %sign3A_35, %ne3A_43 : vector<16xi32>
    %rem3A_45 = vector.broadcast %jit3A_24 : i32 to vector<16xi32>
    %rem3A_46 = arith.remsi %iota3A, %rem3A_45 : vector<16xi32>
    %ne3A_47 = arith.constant 0 : i32
    %ne3A_48 = vector.broadcast %ne3A_47 : i32 to vector<16xi32>
    %ne3A_49 = arith.cmpi ne, %rem3A_46, %ne3A_48 : vector<16xi32>
    %and3A_50 = arith.andi %ne3A_44, %ne3A_49 : vector<16xi1>
    %sub3A_51 = arith.constant 1 : i32
    %sub3A_52 = vector.broadcast %sub3A_51 : i32 to vector<16xi32>
    %sub3A_53 = arith.subi %div3A_26, %sub3A_52 : vector<16xi32>
    %select_n3A_54 = arith.select %and3A_50, %sub3A_53, %div3A_26 : vector<16xi1>, vector<16xi32>
    %add3A_55 = arith.constant 2 : i32
    %add3A_56 = vector.broadcast %add3A_55 : i32 to vector<16xi32>
    %add3A_57 = arith.addi %select_n3A_54, %add3A_56 : vector<16xi32>
    %jit3A_58 = arith.constant 8 : i32
    %eq3A = arith.constant 0 : i32
    %eq3A_59 = arith.cmpi eq, %jit3A_58, %eq3A : i32
    %jit3A_60 = arith.constant 1 : i32
    %select_n3A_61 = arith.select %eq3A_59, %jit3A_60, %jit3A_58 : i32
    %rem3A_62 = vector.broadcast %select_n3A_61 : i32 to vector<16xi32>
    %rem3A_63 = arith.remsi %iota3A, %rem3A_62 : vector<16xi32>
    %ne3A_64 = arith.constant 0 : i32
    %ne3A_65 = vector.broadcast %ne3A_64 : i32 to vector<16xi32>
    %ne3A_66 = arith.cmpi ne, %rem3A_63, %ne3A_65 : vector<16xi32>
    %lt3A = arith.constant 0 : i32
    %lt3A_67 = vector.broadcast %lt3A : i32 to vector<16xi32>
    %lt3A_68 = arith.cmpi slt, %rem3A_63, %lt3A_67 : vector<16xi32>
    %lt3A_69 = arith.constant 0 : i32
    %lt3A_70 = arith.cmpi slt, %select_n3A_61, %lt3A_69 : i32
    %ne3A_71 = vector.broadcast %lt3A_70 : i1 to vector<16xi1>
    %ne3A_72 = vector.broadcast %ne3A_71 : vector<16xi1> to vector<16xi1>
    %ne3A_73 = arith.xori %lt3A_68, %ne3A_72 : vector<16xi1>
    %and3A_74 = arith.andi %ne3A_73, %ne3A_66 : vector<16xi1>
    %add3A_75 = vector.broadcast %select_n3A_61 : i32 to vector<16xi32>
    %add3A_76 = arith.addi %rem3A_63, %add3A_75 : vector<16xi32>
    %select_n3A_77 = arith.select %and3A_74, %add3A_76, %rem3A_63 : vector<16xi1>, vector<16xi32>
    %broadcast_in_dim3A = arith.constant 0 : i32
    %broadcast_in_dim3A_78 = vector.broadcast %broadcast_in_dim3A : i32 to vector<16xi32>
    %broadcast_in_dim3A_79 = arith.constant 0 : i32
    %broadcast_in_dim3A_80 = vector.broadcast %broadcast_in_dim3A_79 : i32 to vector<16xi32>
    %broadcast_in_dim3A_81 = arith.constant 1 : i32
    %broadcast_in_dim3A_82 = vector.broadcast %broadcast_in_dim3A_81 : i32 to vector<16xi32>
    "tpu.region"() ({
      %run_scoped3A = tpu.sem_alloc : memref<!tpu.dma_semaphore, #tpu.memory_space<semaphore_mem>>
      %dma_start3A_229 = arith.constant 0 : i32
      %dma_start3A_230 = arith.constant 0 : i32
      %dma_start3A_231 = tpu.memref_slice %arg2[%dma_start3A_229, %add3A, %dma_start3A_230] : memref<200x32x128xi32, #tpu.memory_space<hbm>> -> memref<200x1x128xi32, #tpu.memory_space<hbm>>
      %dma_start3A_232 = arith.constant 0 : i32
      %dma_start3A_233 = arith.constant 0 : i32
      %dma_start3A_234 = tpu.memref_slice %arg2[%dma_start3A_232, %add3A, %dma_start3A_233] : memref<200x32x128xi32, #tpu.memory_space<hbm>> -> memref<200x1x128xi32, #tpu.memory_space<hbm>>
      tpu.enqueue_dma source(%dma_start3A_234 : memref<200x1x128xi32, #tpu.memory_space<hbm>>) target(%arg8 : memref<200x1x128xi32, #tpu.memory_space<vmem>>) target_semaphore(%run_scoped3A : memref<!tpu.dma_semaphore, #tpu.memory_space<semaphore_mem>>)
      %dma_wait3A_235 = arith.constant 0 : i32
      %dma_wait3A_236 = arith.constant 0 : i32
      %dma_wait3A_237 = tpu.memref_slice %arg2[%dma_wait3A_235, %add3A, %dma_wait3A_236] : memref<200x32x128xi32, #tpu.memory_space<hbm>> -> memref<200x1x128xi32, #tpu.memory_space<hbm>>
      %dma_wait3A_238 = arith.constant 0 : i32
      %dma_wait3A_239 = arith.constant 0 : i32
      %dma_wait3A_240 = tpu.memref_slice %arg2[%dma_wait3A_238, %add3A, %dma_wait3A_239] : memref<200x32x128xi32, #tpu.memory_space<hbm>> -> memref<200x1x128xi32, #tpu.memory_space<hbm>>
      tpu.wait_dma2 semaphore(%run_scoped3A : memref<!tpu.dma_semaphore, #tpu.memory_space<semaphore_mem>>) src(%dma_wait3A_240 : memref<200x1x128xi32, #tpu.memory_space<hbm>>) dst(%arg8 : memref<200x1x128xi32, #tpu.memory_space<vmem>>)
      tpu.yield
    }) : () -> ()
    "tpu.region"() ({
      %run_scoped3A = tpu.sem_alloc : memref<!tpu.dma_semaphore, #tpu.memory_space<semaphore_mem>>
      %dma_start3A_229 = arith.constant 0 : i32
      %dma_start3A_230 = arith.constant 0 : i32
      %dma_start3A_231 = tpu.memref_slice %arg3[%dma_start3A_229, %add3A, %dma_start3A_230] : memref<200x32x128xi32, #tpu.memory_space<hbm>> -> memref<200x1x128xi32, #tpu.memory_space<hbm>>
      %dma_start3A_232 = arith.constant 0 : i32
      %dma_start3A_233 = arith.constant 0 : i32
      %dma_start3A_234 = tpu.memref_slice %arg3[%dma_start3A_232, %add3A, %dma_start3A_233] : memref<200x32x128xi32, #tpu.memory_space<hbm>> -> memref<200x1x128xi32, #tpu.memory_space<hbm>>
      tpu.enqueue_dma source(%dma_start3A_234 : memref<200x1x128xi32, #tpu.memory_space<hbm>>) target(%arg9 : memref<200x1x128xi32, #tpu.memory_space<vmem>>) target_semaphore(%run_scoped3A : memref<!tpu.dma_semaphore, #tpu.memory_space<semaphore_mem>>)
      %dma_wait3A_235 = arith.constant 0 : i32
      %dma_wait3A_236 = arith.constant 0 : i32
      %dma_wait3A_237 = tpu.memref_slice %arg3[%dma_wait3A_235, %add3A, %dma_wait3A_236] : memref<200x32x128xi32, #tpu.memory_space<hbm>> -> memref<200x1x128xi32, #tpu.memory_space<hbm>>
      %dma_wait3A_238 = arith.constant 0 : i32
      %dma_wait3A_239 = arith.constant 0 : i32
      %dma_wait3A_240 = tpu.memref_slice %arg3[%dma_wait3A_238, %add3A, %dma_wait3A_239] : memref<200x32x128xi32, #tpu.memory_space<hbm>> -> memref<200x1x128xi32, #tpu.memory_space<hbm>>
      tpu.wait_dma2 semaphore(%run_scoped3A : memref<!tpu.dma_semaphore, #tpu.memory_space<semaphore_mem>>) src(%dma_wait3A_240 : memref<200x1x128xi32, #tpu.memory_space<hbm>>) dst(%arg9 : memref<200x1x128xi32, #tpu.memory_space<vmem>>)
      tpu.yield
    }) : () -> ()
    %dma_start3A = arith.constant 0 : i32
    %dma_start3A_83 = arith.constant 0 : i32
    %dma_start3A_84 = arith.constant 0 : i32
    %dma_start3A_85 = tpu.memref_slice %arg8[%dma_start3A, %dma_start3A_83, %dma_start3A_84] : memref<200x1x128xi32, #tpu.memory_space<vmem>> -> memref<1x1x128xi32, #tpu.memory_space<vmem>>
    %dma_start3A_86 = tpu.memref_squeeze %dma_start3A_85 : memref<1x1x128xi32, #tpu.memory_space<vmem>> -> memref<128xi32, #tpu.memory_space<vmem>>
    %dma_start3A_87 = arith.constant 0 : i32
    %dma_start3A_88 = arith.constant 0 : i32
    %dma_start3A_89 = tpu.memref_slice %arg4[%dma_start3A_87, %dma_start3A_88] : memref<1000000x32xf32, #tpu.memory_space<hbm>> -> memref<1000000x32xf32, #tpu.memory_space<hbm>>
    tpu.enqueue_indirect_dma source(%dma_start3A_89 : memref<1000000x32xf32, #tpu.memory_space<hbm>>) target(%arg10 : memref<128x32xf32, #tpu.memory_space<vmem>>) offsets(%dma_start3A_86 : memref<128xi32, #tpu.memory_space<vmem>>) semaphore(%arg22 : memref<!tpu.dma_semaphore, #tpu.memory_space<semaphore_mem>>)
    %dma_start3A_90 = arith.constant 0 : i32
    %dma_start3A_91 = arith.constant 0 : i32
    %dma_start3A_92 = arith.constant 0 : i32
    %dma_start3A_93 = tpu.memref_slice %arg9[%dma_start3A_90, %dma_start3A_91, %dma_start3A_92] : memref<200x1x128xi32, #tpu.memory_space<vmem>> -> memref<1x1x128xi32, #tpu.memory_space<vmem>>
    %dma_start3A_94 = tpu.memref_squeeze %dma_start3A_93 : memref<1x1x128xi32, #tpu.memory_space<vmem>> -> memref<128xi32, #tpu.memory_space<vmem>>
    %dma_start3A_95 = arith.constant 0 : i32
    %dma_start3A_96 = arith.constant 0 : i32
    %dma_start3A_97 = tpu.memref_slice %arg5[%dma_start3A_95, %dma_start3A_96] : memref<100000x32xf32, #tpu.memory_space<hbm>> -> memref<100000x32xf32, #tpu.memory_space<hbm>>
    tpu.enqueue_indirect_dma source(%dma_start3A_97 : memref<100000x32xf32, #tpu.memory_space<hbm>>) target(%arg14 : memref<128x32xf32, #tpu.memory_space<vmem>>) offsets(%dma_start3A_94 : memref<128xi32, #tpu.memory_space<vmem>>) semaphore(%arg26 : memref<!tpu.dma_semaphore, #tpu.memory_space<semaphore_mem>>)
    %dma_start3A_98 = arith.constant 1 : i32
    %dma_start3A_99 = arith.constant 0 : i32
    %dma_start3A_100 = arith.constant 0 : i32
    %dma_start3A_101 = tpu.memref_slice %arg8[%dma_start3A_98, %dma_start3A_99, %dma_start3A_100] : memref<200x1x128xi32, #tpu.memory_space<vmem>> -> memref<1x1x128xi32, #tpu.memory_space<vmem>>
    %dma_start3A_102 = tpu.memref_squeeze %dma_start3A_101 : memref<1x1x128xi32, #tpu.memory_space<vmem>> -> memref<128xi32, #tpu.memory_space<vmem>>
    %dma_start3A_103 = arith.constant 0 : i32
    %dma_start3A_104 = arith.constant 0 : i32
    %dma_start3A_105 = tpu.memref_slice %arg4[%dma_start3A_103, %dma_start3A_104] : memref<1000000x32xf32, #tpu.memory_space<hbm>> -> memref<1000000x32xf32, #tpu.memory_space<hbm>>
    tpu.enqueue_indirect_dma source(%dma_start3A_105 : memref<1000000x32xf32, #tpu.memory_space<hbm>>) target(%arg11 : memref<128x32xf32, #tpu.memory_space<vmem>>) offsets(%dma_start3A_102 : memref<128xi32, #tpu.memory_space<vmem>>) semaphore(%arg23 : memref<!tpu.dma_semaphore, #tpu.memory_space<semaphore_mem>>)
    %dma_start3A_106 = arith.constant 1 : i32
    %dma_start3A_107 = arith.constant 0 : i32
    %dma_start3A_108 = arith.constant 0 : i32
    %dma_start3A_109 = tpu.memref_slice %arg9[%dma_start3A_106, %dma_start3A_107, %dma_start3A_108] : memref<200x1x128xi32, #tpu.memory_space<vmem>> -> memref<1x1x128xi32, #tpu.memory_space<vmem>>
    %dma_start3A_110 = tpu.memref_squeeze %dma_start3A_109 : memref<1x1x128xi32, #tpu.memory_space<vmem>> -> memref<128xi32, #tpu.memory_space<vmem>>
    %dma_start3A_111 = arith.constant 0 : i32
    %dma_start3A_112 = arith.constant 0 : i32
    %dma_start3A_113 = tpu.memref_slice %arg5[%dma_start3A_111, %dma_start3A_112] : memref<100000x32xf32, #tpu.memory_space<hbm>> -> memref<100000x32xf32, #tpu.memory_space<hbm>>
    tpu.enqueue_indirect_dma source(%dma_start3A_113 : memref<100000x32xf32, #tpu.memory_space<hbm>>) target(%arg15 : memref<128x32xf32, #tpu.memory_space<vmem>>) offsets(%dma_start3A_110 : memref<128xi32, #tpu.memory_space<vmem>>) semaphore(%arg27 : memref<!tpu.dma_semaphore, #tpu.memory_space<semaphore_mem>>)
    %dma_start3A_114 = arith.constant 2 : i32
    %dma_start3A_115 = arith.constant 0 : i32
    %dma_start3A_116 = arith.constant 0 : i32
    %dma_start3A_117 = tpu.memref_slice %arg8[%dma_start3A_114, %dma_start3A_115, %dma_start3A_116] : memref<200x1x128xi32, #tpu.memory_space<vmem>> -> memref<1x1x128xi32, #tpu.memory_space<vmem>>
    %dma_start3A_118 = tpu.memref_squeeze %dma_start3A_117 : memref<1x1x128xi32, #tpu.memory_space<vmem>> -> memref<128xi32, #tpu.memory_space<vmem>>
    %dma_start3A_119 = arith.constant 0 : i32
    %dma_start3A_120 = arith.constant 0 : i32
    %dma_start3A_121 = tpu.memref_slice %arg4[%dma_start3A_119, %dma_start3A_120] : memref<1000000x32xf32, #tpu.memory_space<hbm>> -> memref<1000000x32xf32, #tpu.memory_space<hbm>>
    tpu.enqueue_indirect_dma source(%dma_start3A_121 : memref<1000000x32xf32, #tpu.memory_space<hbm>>) target(%arg12 : memref<128x32xf32, #tpu.memory_space<vmem>>) offsets(%dma_start3A_118 : memref<128xi32, #tpu.memory_space<vmem>>) semaphore(%arg24 : memref<!tpu.dma_semaphore, #tpu.memory_space<semaphore_mem>>)
    %dma_start3A_122 = arith.constant 2 : i32
    %dma_start3A_123 = arith.constant 0 : i32
    %dma_start3A_124 = arith.constant 0 : i32
    %dma_start3A_125 = tpu.memref_slice %arg9[%dma_start3A_122, %dma_start3A_123, %dma_start3A_124] : memref<200x1x128xi32, #tpu.memory_space<vmem>> -> memref<1x1x128xi32, #tpu.memory_space<vmem>>
    %dma_start3A_126 = tpu.memref_squeeze %dma_start3A_125 : memref<1x1x128xi32, #tpu.memory_space<vmem>> -> memref<128xi32, #tpu.memory_space<vmem>>
    %dma_start3A_127 = arith.constant 0 : i32
    %dma_start3A_128 = arith.constant 0 : i32
    %dma_start3A_129 = tpu.memref_slice %arg5[%dma_start3A_127, %dma_start3A_128] : memref<100000x32xf32, #tpu.memory_space<hbm>> -> memref<100000x32xf32, #tpu.memory_space<hbm>>
    tpu.enqueue_indirect_dma source(%dma_start3A_129 : memref<100000x32xf32, #tpu.memory_space<hbm>>) target(%arg16 : memref<128x32xf32, #tpu.memory_space<vmem>>) offsets(%dma_start3A_126 : memref<128xi32, #tpu.memory_space<vmem>>) semaphore(%arg28 : memref<!tpu.dma_semaphore, #tpu.memory_space<semaphore_mem>>)
    %scan3A = arith.constant 0 : i32
    %scan3A_130 = arith.constant 50 : i32
    %scan3A_131 = arith.addi %scan3A, %scan3A_130 : i32
    %scan3A_132 = arith.constant 1 : i32
    scf.for %scan3A_229 = %scan3A to %scan3A_131 step %scan3A_132  : i32 {
      %mul3A_230 = arith.constant 2 : i32
      %mul3A_231 = arith.muli %mul3A_230, %scan3A_229 : i32
      %add3A_232 = arith.constant 0 : i32
      %add3A_233 = arith.addi %mul3A_231, %add3A_232 : i32
      %ge3A = arith.constant 2 : i32
      %ge3A_234 = arith.cmpi sge, %add3A_233, %ge3A : i32
      %convert_element_type3A = arith.extui %ge3A_234 : i1 to i32
      %cond3A = arith.constant 0 : i32
      %cond3A_235 = arith.cmpi ne, %convert_element_type3A, %cond3A : i32
      scf.if %cond3A_235 {
        %dma_wait3A_441 = arith.constant 0 : i32
        %dma_wait3A_442 = arith.constant 0 : i32
        %dma_wait3A_443 = arith.constant 0 : i32
        %dma_wait3A_444 = arith.constant 0 : i32
        %dma_wait3A_445 = arith.constant 0 : i32
        %dma_wait3A_446 = tpu.memref_slice %arg18[%dma_wait3A_441, %dma_wait3A_442, %dma_wait3A_443, %dma_wait3A_444, %dma_wait3A_445] : memref<2x4x1x8x129xf32, #tpu.memory_space<vmem>> -> memref<2x4x1x8x128xf32, #tpu.memory_space<vmem>>
        %dma_wait3A_447 = arith.constant 0 : i32
        %dma_wait3A_448 = arith.constant 0 : i32
        %dma_wait3A_449 = arith.constant 0 : i32
        %dma_wait3A_450 = arith.constant 0 : i32
        %dma_wait3A_451 = arith.constant 0 : i32
        %dma_wait3A_452 = tpu.memref_slice %arg6[%dma_wait3A_447, %dma_wait3A_448, %dma_wait3A_449, %dma_wait3A_450, %dma_wait3A_451] : memref<200x4x32x8x128xf32, #tpu.memory_space<hbm>> -> memref<2x4x1x8x128xf32, #tpu.memory_space<hbm>>
        %dma_wait3A_453 = arith.constant 0 : i32
        %dma_wait3A_454 = arith.constant 0 : i32
        %dma_wait3A_455 = arith.constant 0 : i32
        %dma_wait3A_456 = arith.constant 0 : i32
        %dma_wait3A_457 = arith.constant 0 : i32
        %dma_wait3A_458 = tpu.memref_slice %arg6[%dma_wait3A_453, %dma_wait3A_454, %dma_wait3A_455, %dma_wait3A_456, %dma_wait3A_457] : memref<200x4x32x8x128xf32, #tpu.memory_space<hbm>> -> memref<2x4x1x8x128xf32, #tpu.memory_space<hbm>>
        %dma_wait3A_459 = arith.constant 0 : i32
        %dma_wait3A_460 = arith.constant 0 : i32
        %dma_wait3A_461 = arith.constant 0 : i32
        %dma_wait3A_462 = arith.constant 0 : i32
        %dma_wait3A_463 = arith.constant 0 : i32
        %dma_wait3A_464 = tpu.memref_slice %arg18[%dma_wait3A_459, %dma_wait3A_460, %dma_wait3A_461, %dma_wait3A_462, %dma_wait3A_463] : memref<2x4x1x8x129xf32, #tpu.memory_space<vmem>> -> memref<2x4x1x8x128xf32, #tpu.memory_space<vmem>>
        tpu.wait_dma2 semaphore(%arg30 : memref<!tpu.dma_semaphore, #tpu.memory_space<semaphore_mem>>) src(%dma_wait3A_464 : memref<2x4x1x8x128xf32, #tpu.memory_space<vmem>>) dst(%dma_wait3A_458 : memref<2x4x1x8x128xf32, #tpu.memory_space<hbm>>)
        %dma_wait3A_465 = arith.constant 0 : i32
        %dma_wait3A_466 = arith.constant 0 : i32
        %dma_wait3A_467 = arith.constant 0 : i32
        %dma_wait3A_468 = arith.constant 0 : i32
        %dma_wait3A_469 = arith.constant 0 : i32
        %dma_wait3A_470 = tpu.memref_slice %arg20[%dma_wait3A_465, %dma_wait3A_466, %dma_wait3A_467, %dma_wait3A_468, %dma_wait3A_469] : memref<2x4x1x8x129xf32, #tpu.memory_space<vmem>> -> memref<2x4x1x8x128xf32, #tpu.memory_space<vmem>>
        %dma_wait3A_471 = arith.constant 0 : i32
        %dma_wait3A_472 = arith.constant 0 : i32
        %dma_wait3A_473 = arith.constant 0 : i32
        %dma_wait3A_474 = arith.constant 0 : i32
        %dma_wait3A_475 = arith.constant 0 : i32
        %dma_wait3A_476 = tpu.memref_slice %arg7[%dma_wait3A_471, %dma_wait3A_472, %dma_wait3A_473, %dma_wait3A_474, %dma_wait3A_475] : memref<200x4x32x8x128xf32, #tpu.memory_space<hbm>> -> memref<2x4x1x8x128xf32, #tpu.memory_space<hbm>>
        %dma_wait3A_477 = arith.constant 0 : i32
        %dma_wait3A_478 = arith.constant 0 : i32
        %dma_wait3A_479 = arith.constant 0 : i32
        %dma_wait3A_480 = arith.constant 0 : i32
        %dma_wait3A_481 = arith.constant 0 : i32
        %dma_wait3A_482 = tpu.memref_slice %arg7[%dma_wait3A_477, %dma_wait3A_478, %dma_wait3A_479, %dma_wait3A_480, %dma_wait3A_481] : memref<200x4x32x8x128xf32, #tpu.memory_space<hbm>> -> memref<2x4x1x8x128xf32, #tpu.memory_space<hbm>>
        %dma_wait3A_483 = arith.constant 0 : i32
        %dma_wait3A_484 = arith.constant 0 : i32
        %dma_wait3A_485 = arith.constant 0 : i32
        %dma_wait3A_486 = arith.constant 0 : i32
        %dma_wait3A_487 = arith.constant 0 : i32
        %dma_wait3A_488 = tpu.memref_slice %arg20[%dma_wait3A_483, %dma_wait3A_484, %dma_wait3A_485, %dma_wait3A_486, %dma_wait3A_487] : memref<2x4x1x8x129xf32, #tpu.memory_space<vmem>> -> memref<2x4x1x8x128xf32, #tpu.memory_space<vmem>>
        tpu.wait_dma2 semaphore(%arg32 : memref<!tpu.dma_semaphore, #tpu.memory_space<semaphore_mem>>) src(%dma_wait3A_488 : memref<2x4x1x8x128xf32, #tpu.memory_space<vmem>>) dst(%dma_wait3A_482 : memref<2x4x1x8x128xf32, #tpu.memory_space<hbm>>)
      } else {
      }
      %mul3A_236 = arith.constant 2 : i32
      %mul3A_237 = arith.muli %add3A_233, %mul3A_236 : i32
      %add3A_238 = arith.constant 0 : i32
      %add3A_239 = arith.addi %mul3A_237, %add3A_238 : i32
      %add3A_240 = arith.constant 3 : i32
      %add3A_241 = arith.addi %add3A_239, %add3A_240 : i32
      %lt3A_242 = arith.constant 200 : i32
      %lt3A_243 = arith.cmpi slt, %add3A_241, %lt3A_242 : i32
      %convert_element_type3A_244 = arith.extui %lt3A_243 : i1 to i32
      %cond3A_245 = arith.constant 0 : i32
      %cond3A_246 = arith.cmpi ne, %convert_element_type3A_244, %cond3A_245 : i32
      scf.if %cond3A_246 {
        %add3A_441 = arith.constant 3 : i32
        %add3A_442 = arith.addi %add3A_239, %add3A_441 : i32
        %dma_start3A_443 = arith.constant 0 : i32
        %dma_start3A_444 = arith.constant 0 : i32
        %dma_start3A_445 = tpu.memref_slice %arg8[%add3A_442, %dma_start3A_443, %dma_start3A_444] : memref<200x1x128xi32, #tpu.memory_space<vmem>> -> memref<1x1x128xi32, #tpu.memory_space<vmem>>
        %dma_start3A_446 = tpu.memref_squeeze %dma_start3A_445 : memref<1x1x128xi32, #tpu.memory_space<vmem>> -> memref<128xi32, #tpu.memory_space<vmem>>
        %dma_start3A_447 = arith.constant 0 : i32
        %dma_start3A_448 = arith.constant 0 : i32
        %dma_start3A_449 = tpu.memref_slice %arg4[%dma_start3A_447, %dma_start3A_448] : memref<1000000x32xf32, #tpu.memory_space<hbm>> -> memref<1000000x32xf32, #tpu.memory_space<hbm>>
        tpu.enqueue_indirect_dma source(%dma_start3A_449 : memref<1000000x32xf32, #tpu.memory_space<hbm>>) target(%arg13 : memref<128x32xf32, #tpu.memory_space<vmem>>) offsets(%dma_start3A_446 : memref<128xi32, #tpu.memory_space<vmem>>) semaphore(%arg25 : memref<!tpu.dma_semaphore, #tpu.memory_space<semaphore_mem>>)
        %dma_start3A_450 = arith.constant 0 : i32
        %dma_start3A_451 = arith.constant 0 : i32
        %dma_start3A_452 = tpu.memref_slice %arg9[%add3A_442, %dma_start3A_450, %dma_start3A_451] : memref<200x1x128xi32, #tpu.memory_space<vmem>> -> memref<1x1x128xi32, #tpu.memory_space<vmem>>
        %dma_start3A_453 = tpu.memref_squeeze %dma_start3A_452 : memref<1x1x128xi32, #tpu.memory_space<vmem>> -> memref<128xi32, #tpu.memory_space<vmem>>
        %dma_start3A_454 = arith.constant 0 : i32
        %dma_start3A_455 = arith.constant 0 : i32
        %dma_start3A_456 = tpu.memref_slice %arg5[%dma_start3A_454, %dma_start3A_455] : memref<100000x32xf32, #tpu.memory_space<hbm>> -> memref<100000x32xf32, #tpu.memory_space<hbm>>
        tpu.enqueue_indirect_dma source(%dma_start3A_456 : memref<100000x32xf32, #tpu.memory_space<hbm>>) target(%arg17 : memref<128x32xf32, #tpu.memory_space<vmem>>) offsets(%dma_start3A_453 : memref<128xi32, #tpu.memory_space<vmem>>) semaphore(%arg29 : memref<!tpu.dma_semaphore, #tpu.memory_space<semaphore_mem>>)
      } else {
      }
      %dma_wait3A_247 = arith.constant 0 : i32
      %dma_wait3A_248 = arith.constant 0 : i32
      %dma_wait3A_249 = tpu.memref_slice %arg4[%dma_wait3A_247, %dma_wait3A_248] : memref<1000000x32xf32, #tpu.memory_space<hbm>> -> memref<128x32xf32, #tpu.memory_space<hbm>>
      %dma_wait3A_250 = arith.constant 0 : i32
      %dma_wait3A_251 = arith.constant 0 : i32
      %dma_wait3A_252 = tpu.memref_slice %arg4[%dma_wait3A_250, %dma_wait3A_251] : memref<1000000x32xf32, #tpu.memory_space<hbm>> -> memref<128x32xf32, #tpu.memory_space<hbm>>
      tpu.wait_dma2 semaphore(%arg22 : memref<!tpu.dma_semaphore, #tpu.memory_space<semaphore_mem>>) src(%dma_wait3A_252 : memref<128x32xf32, #tpu.memory_space<hbm>>) dst(%arg10 : memref<128x32xf32, #tpu.memory_space<vmem>>)
      %dma_wait3A_253 = arith.constant 0 : i32
      %dma_wait3A_254 = arith.constant 0 : i32
      %dma_wait3A_255 = tpu.memref_slice %arg5[%dma_wait3A_253, %dma_wait3A_254] : memref<100000x32xf32, #tpu.memory_space<hbm>> -> memref<128x32xf32, #tpu.memory_space<hbm>>
      %dma_wait3A_256 = arith.constant 0 : i32
      %dma_wait3A_257 = arith.constant 0 : i32
      %dma_wait3A_258 = tpu.memref_slice %arg5[%dma_wait3A_256, %dma_wait3A_257] : memref<100000x32xf32, #tpu.memory_space<hbm>> -> memref<128x32xf32, #tpu.memory_space<hbm>>
      tpu.wait_dma2 semaphore(%arg26 : memref<!tpu.dma_semaphore, #tpu.memory_space<semaphore_mem>>) src(%dma_wait3A_258 : memref<128x32xf32, #tpu.memory_space<hbm>>) dst(%arg14 : memref<128x32xf32, #tpu.memory_space<vmem>>)
      %scan3A_259 = arith.constant 0 : i32
      %scan3A_260 = arith.constant 32 : i32
      %scan3A_261 = arith.addi %scan3A_259, %scan3A_260 : i32
      %scan3A_262 = arith.constant 1 : i32
      scf.for %scan3A_441 = %scan3A_259 to %scan3A_261 step %scan3A_262  : i32 {
        %mul3A_442 = arith.constant 4 : i32
        %mul3A_443 = arith.muli %scan3A_441, %mul3A_442 : i32
        %add3A_444 = arith.constant 0 : i32
        %add3A_445 = arith.addi %mul3A_443, %add3A_444 : i32
        %broadcast_in_dim3A_446 = vector.broadcast %add3A_445 : i32 to vector<16xi32>
        %add3A_447 = arith.constant 1 : i32
        %add3A_448 = arith.addi %mul3A_443, %add3A_447 : i32
        %broadcast_in_dim3A_449 = vector.broadcast %add3A_448 : i32 to vector<16xi32>
        %add3A_450 = arith.constant 2 : i32
        %add3A_451 = arith.addi %mul3A_443, %add3A_450 : i32
        %broadcast_in_dim3A_452 = vector.broadcast %add3A_451 : i32 to vector<16xi32>
        %add3A_453 = arith.constant 3 : i32
        %add3A_454 = arith.addi %mul3A_443, %add3A_453 : i32
        %broadcast_in_dim3A_455 = vector.broadcast %add3A_454 : i32 to vector<16xi32>
        %add3A_456 = arith.constant 0 : i32
        %add3A_457 = arith.addi %mul3A_443, %add3A_456 : i32
        %get3A = arith.index_cast %add3A_457 : i32 to index
        %get3A_458 = arith.constant 0 : index
        %get3A_459 = tpu.vector_load %arg10[%get3A, %get3A_458] {strides = array<i32>} : memref<128x32xf32, #tpu.memory_space<vmem>>, vector<16xf32>,
        %add3A_460 = arith.constant 1 : i32
        %add3A_461 = arith.addi %mul3A_443, %add3A_460 : i32
        %get3A_462 = arith.index_cast %add3A_461 : i32 to index
        %get3A_463 = arith.constant 0 : index
        %get3A_464 = tpu.vector_load %arg10[%get3A_462, %get3A_463] {strides = array<i32>} : memref<128x32xf32, #tpu.memory_space<vmem>>, vector<16xf32>,
        %add3A_465 = arith.constant 2 : i32
        %add3A_466 = arith.addi %mul3A_443, %add3A_465 : i32
        %get3A_467 = arith.index_cast %add3A_466 : i32 to index
        %get3A_468 = arith.constant 0 : index
        %get3A_469 = tpu.vector_load %arg10[%get3A_467, %get3A_468] {strides = array<i32>} : memref<128x32xf32, #tpu.memory_space<vmem>>, vector<16xf32>,
        %add3A_470 = arith.constant 3 : i32
        %add3A_471 = arith.addi %mul3A_443, %add3A_470 : i32
        %get3A_472 = arith.index_cast %add3A_471 : i32 to index
        %get3A_473 = arith.constant 0 : index
        %get3A_474 = tpu.vector_load %arg10[%get3A_472, %get3A_473] {strides = array<i32>} : memref<128x32xf32, #tpu.memory_space<vmem>>, vector<16xf32>,
        %add3A_475 = arith.constant 0 : i32
        %add3A_476 = arith.addi %mul3A_443, %add3A_475 : i32
        %get3A_477 = arith.index_cast %add3A_476 : i32 to index
        %get3A_478 = arith.constant 0 : index
        %get3A_479 = tpu.vector_load %arg14[%get3A_477, %get3A_478] {strides = array<i32>} : memref<128x32xf32, #tpu.memory_space<vmem>>, vector<16xf32>,
        %add3A_480 = arith.constant 1 : i32
        %add3A_481 = arith.addi %mul3A_443, %add3A_480 : i32
        %get3A_482 = arith.index_cast %add3A_481 : i32 to index
        %get3A_483 = arith.constant 0 : index
        %get3A_484 = tpu.vector_load %arg14[%get3A_482, %get3A_483] {strides = array<i32>} : memref<128x32xf32, #tpu.memory_space<vmem>>, vector<16xf32>,
        %add3A_485 = arith.constant 2 : i32
        %add3A_486 = arith.addi %mul3A_443, %add3A_485 : i32
        %get3A_487 = arith.index_cast %add3A_486 : i32 to index
        %get3A_488 = arith.constant 0 : index
        %get3A_489 = tpu.vector_load %arg14[%get3A_487, %get3A_488] {strides = array<i32>} : memref<128x32xf32, #tpu.memory_space<vmem>>, vector<16xf32>,
        %add3A_490 = arith.constant 3 : i32
        %add3A_491 = arith.addi %mul3A_443, %add3A_490 : i32
        %get3A_492 = arith.index_cast %add3A_491 : i32 to index
        %get3A_493 = arith.constant 0 : index
        %get3A_494 = tpu.vector_load %arg14[%get3A_492, %get3A_493] {strides = array<i32>} : memref<128x32xf32, #tpu.memory_space<vmem>>, vector<16xf32>,
        tpu.vector_store_idx %arg18[%broadcast_in_dim3A_80, %select_n3A, %broadcast_in_dim3A_78, %select_n3A_77, %broadcast_in_dim3A_446], %get3A_459 : memref<2x4x1x8x129xf32, #tpu.memory_space<vmem>>[vector<16xi32>, vector<16xi32>, vector<16xi32>, vector<16xi32>, vector<16xi32>], vector<16xf32>,
        tpu.vector_store_idx %arg18[%broadcast_in_dim3A_80, %select_n3A, %broadcast_in_dim3A_78, %select_n3A_77, %broadcast_in_dim3A_449], %get3A_464 : memref<2x4x1x8x129xf32, #tpu.memory_space<vmem>>[vector<16xi32>, vector<16xi32>, vector<16xi32>, vector<16xi32>, vector<16xi32>], vector<16xf32>,
        tpu.vector_store_idx %arg18[%broadcast_in_dim3A_80, %select_n3A, %broadcast_in_dim3A_78, %select_n3A_77, %broadcast_in_dim3A_452], %get3A_469 : memref<2x4x1x8x129xf32, #tpu.memory_space<vmem>>[vector<16xi32>, vector<16xi32>, vector<16xi32>, vector<16xi32>, vector<16xi32>], vector<16xf32>,
        tpu.vector_store_idx %arg18[%broadcast_in_dim3A_80, %select_n3A, %broadcast_in_dim3A_78, %select_n3A_77, %broadcast_in_dim3A_455], %get3A_474 : memref<2x4x1x8x129xf32, #tpu.memory_space<vmem>>[vector<16xi32>, vector<16xi32>, vector<16xi32>, vector<16xi32>, vector<16xi32>], vector<16xf32>,
        tpu.vector_store_idx %arg20[%broadcast_in_dim3A_80, %select_n3A, %broadcast_in_dim3A_78, %select_n3A_77, %broadcast_in_dim3A_446], %get3A_479 : memref<2x4x1x8x129xf32, #tpu.memory_space<vmem>>[vector<16xi32>, vector<16xi32>, vector<16xi32>, vector<16xi32>, vector<16xi32>], vector<16xf32>,
        tpu.vector_store_idx %arg20[%broadcast_in_dim3A_80, %select_n3A, %broadcast_in_dim3A_78, %select_n3A_77, %broadcast_in_dim3A_449], %get3A_484 : memref<2x4x1x8x129xf32, #tpu.memory_space<vmem>>[vector<16xi32>, vector<16xi32>, vector<16xi32>, vector<16xi32>, vector<16xi32>], vector<16xf32>,
        tpu.vector_store_idx %arg20[%broadcast_in_dim3A_80, %select_n3A, %broadcast_in_dim3A_78, %select_n3A_77, %broadcast_in_dim3A_452], %get3A_489 : memref<2x4x1x8x129xf32, #tpu.memory_space<vmem>>[vector<16xi32>, vector<16xi32>, vector<16xi32>, vector<16xi32>, vector<16xi32>], vector<16xf32>,
        tpu.vector_store_idx %arg20[%broadcast_in_dim3A_80, %select_n3A, %broadcast_in_dim3A_78, %select_n3A_77, %broadcast_in_dim3A_455], %get3A_494 : memref<2x4x1x8x129xf32, #tpu.memory_space<vmem>>[vector<16xi32>, vector<16xi32>, vector<16xi32>, vector<16xi32>, vector<16xi32>], vector<16xf32>,
        %add3A_495 = arith.constant 0 : i32
        %add3A_496 = arith.addi %mul3A_443, %add3A_495 : i32
        %get3A_497 = arith.index_cast %add3A_496 : i32 to index
        %get3A_498 = arith.constant 16 : index
        %get3A_499 = tpu.vector_load %arg10[%get3A_497, %get3A_498] {strides = array<i32>} : memref<128x32xf32, #tpu.memory_space<vmem>>, vector<16xf32>,
        %add3A_500 = arith.constant 1 : i32
        %add3A_501 = arith.addi %mul3A_443, %add3A_500 : i32
        %get3A_502 = arith.index_cast %add3A_501 : i32 to index
        %get3A_503 = arith.constant 16 : index
        %get3A_504 = tpu.vector_load %arg10[%get3A_502, %get3A_503] {strides = array<i32>} : memref<128x32xf32, #tpu.memory_space<vmem>>, vector<16xf32>,
        %add3A_505 = arith.constant 2 : i32
        %add3A_506 = arith.addi %mul3A_443, %add3A_505 : i32
        %get3A_507 = arith.index_cast %add3A_506 : i32 to index
        %get3A_508 = arith.constant 16 : index
        %get3A_509 = tpu.vector_load %arg10[%get3A_507, %get3A_508] {strides = array<i32>} : memref<128x32xf32, #tpu.memory_space<vmem>>, vector<16xf32>,
        %add3A_510 = arith.constant 3 : i32
        %add3A_511 = arith.addi %mul3A_443, %add3A_510 : i32
        %get3A_512 = arith.index_cast %add3A_511 : i32 to index
        %get3A_513 = arith.constant 16 : index
        %get3A_514 = tpu.vector_load %arg10[%get3A_512, %get3A_513] {strides = array<i32>} : memref<128x32xf32, #tpu.memory_space<vmem>>, vector<16xf32>,
        %add3A_515 = arith.constant 0 : i32
        %add3A_516 = arith.addi %mul3A_443, %add3A_515 : i32
        %get3A_517 = arith.index_cast %add3A_516 : i32 to index
        %get3A_518 = arith.constant 16 : index
        %get3A_519 = tpu.vector_load %arg14[%get3A_517, %get3A_518] {strides = array<i32>} : memref<128x32xf32, #tpu.memory_space<vmem>>, vector<16xf32>,
        %add3A_520 = arith.constant 1 : i32
        %add3A_521 = arith.addi %mul3A_443, %add3A_520 : i32
        %get3A_522 = arith.index_cast %add3A_521 : i32 to index
        %get3A_523 = arith.constant 16 : index
        %get3A_524 = tpu.vector_load %arg14[%get3A_522, %get3A_523] {strides = array<i32>} : memref<128x32xf32, #tpu.memory_space<vmem>>, vector<16xf32>,
        %add3A_525 = arith.constant 2 : i32
        %add3A_526 = arith.addi %mul3A_443, %add3A_525 : i32
        %get3A_527 = arith.index_cast %add3A_526 : i32 to index
        %get3A_528 = arith.constant 16 : index
        %get3A_529 = tpu.vector_load %arg14[%get3A_527, %get3A_528] {strides = array<i32>} : memref<128x32xf32, #tpu.memory_space<vmem>>, vector<16xf32>,
        %add3A_530 = arith.constant 3 : i32
        %add3A_531 = arith.addi %mul3A_443, %add3A_530 : i32
        %get3A_532 = arith.index_cast %add3A_531 : i32 to index
        %get3A_533 = arith.constant 16 : index
        %get3A_534 = tpu.vector_load %arg14[%get3A_532, %get3A_533] {strides = array<i32>} : memref<128x32xf32, #tpu.memory_space<vmem>>, vector<16xf32>,
        tpu.vector_store_idx %arg18[%broadcast_in_dim3A_80, %add3A_57, %broadcast_in_dim3A_78, %select_n3A_77, %broadcast_in_dim3A_446], %get3A_499 : memref<2x4x1x8x129xf32, #tpu.memory_space<vmem>>[vector<16xi32>, vector<16xi32>, vector<16xi32>, vector<16xi32>, vector<16xi32>], vector<16xf32>,
        tpu.vector_store_idx %arg18[%broadcast_in_dim3A_80, %add3A_57, %broadcast_in_dim3A_78, %select_n3A_77, %broadcast_in_dim3A_449], %get3A_504 : memref<2x4x1x8x129xf32, #tpu.memory_space<vmem>>[vector<16xi32>, vector<16xi32>, vector<16xi32>, vector<16xi32>, vector<16xi32>], vector<16xf32>,
        tpu.vector_store_idx %arg18[%broadcast_in_dim3A_80, %add3A_57, %broadcast_in_dim3A_78, %select_n3A_77, %broadcast_in_dim3A_452], %get3A_509 : memref<2x4x1x8x129xf32, #tpu.memory_space<vmem>>[vector<16xi32>, vector<16xi32>, vector<16xi32>, vector<16xi32>, vector<16xi32>], vector<16xf32>,
        tpu.vector_store_idx %arg18[%broadcast_in_dim3A_80, %add3A_57, %broadcast_in_dim3A_78, %select_n3A_77, %broadcast_in_dim3A_455], %get3A_514 : memref<2x4x1x8x129xf32, #tpu.memory_space<vmem>>[vector<16xi32>, vector<16xi32>, vector<16xi32>, vector<16xi32>, vector<16xi32>], vector<16xf32>,
        tpu.vector_store_idx %arg20[%broadcast_in_dim3A_80, %add3A_57, %broadcast_in_dim3A_78, %select_n3A_77, %broadcast_in_dim3A_446], %get3A_519 : memref<2x4x1x8x129xf32, #tpu.memory_space<vmem>>[vector<16xi32>, vector<16xi32>, vector<16xi32>, vector<16xi32>, vector<16xi32>], vector<16xf32>,
        tpu.vector_store_idx %arg20[%broadcast_in_dim3A_80, %add3A_57, %broadcast_in_dim3A_78, %select_n3A_77, %broadcast_in_dim3A_449], %get3A_524 : memref<2x4x1x8x129xf32, #tpu.memory_space<vmem>>[vector<16xi32>, vector<16xi32>, vector<16xi32>, vector<16xi32>, vector<16xi32>], vector<16xf32>,
        tpu.vector_store_idx %arg20[%broadcast_in_dim3A_80, %add3A_57, %broadcast_in_dim3A_78, %select_n3A_77, %broadcast_in_dim3A_452], %get3A_529 : memref<2x4x1x8x129xf32, #tpu.memory_space<vmem>>[vector<16xi32>, vector<16xi32>, vector<16xi32>, vector<16xi32>, vector<16xi32>], vector<16xf32>,
        tpu.vector_store_idx %arg20[%broadcast_in_dim3A_80, %add3A_57, %broadcast_in_dim3A_78, %select_n3A_77, %broadcast_in_dim3A_455], %get3A_534 : memref<2x4x1x8x129xf32, #tpu.memory_space<vmem>>[vector<16xi32>, vector<16xi32>, vector<16xi32>, vector<16xi32>, vector<16xi32>], vector<16xf32>,
      }
      %scan3A_263 = arith.constant 32 : i32
      %mul3A_264 = arith.constant 2 : i32
      %mul3A_265 = arith.muli %add3A_233, %mul3A_264 : i32
      %add3A_266 = arith.constant 1 : i32
      %add3A_267 = arith.addi %mul3A_265, %add3A_266 : i32
      %add3A_268 = arith.constant 3 : i32
      %add3A_269 = arith.addi %add3A_267, %add3A_268 : i32
      %lt3A_270 = arith.constant 200 : i32
      %lt3A_271 = arith.cmpi slt, %add3A_269, %lt3A_270 : i32
      %convert_element_type3A_272 = arith.extui %lt3A_271 : i1 to i32
      %cond3A_273 = arith.constant 0 : i32
      %cond3A_274 = arith.cmpi ne, %convert_element_type3A_272, %cond3A_273 : i32
      scf.if %cond3A_274 {
        %add3A_441 = arith.constant 3 : i32
        %add3A_442 = arith.addi %add3A_267, %add3A_441 : i32
        %dma_start3A_443 = arith.constant 0 : i32
        %dma_start3A_444 = arith.constant 0 : i32
        %dma_start3A_445 = tpu.memref_slice %arg8[%add3A_442, %dma_start3A_443, %dma_start3A_444] : memref<200x1x128xi32, #tpu.memory_space<vmem>> -> memref<1x1x128xi32, #tpu.memory_space<vmem>>
        %dma_start3A_446 = tpu.memref_squeeze %dma_start3A_445 : memref<1x1x128xi32, #tpu.memory_space<vmem>> -> memref<128xi32, #tpu.memory_space<vmem>>
        %dma_start3A_447 = arith.constant 0 : i32
        %dma_start3A_448 = arith.constant 0 : i32
        %dma_start3A_449 = tpu.memref_slice %arg4[%dma_start3A_447, %dma_start3A_448] : memref<1000000x32xf32, #tpu.memory_space<hbm>> -> memref<1000000x32xf32, #tpu.memory_space<hbm>>
        tpu.enqueue_indirect_dma source(%dma_start3A_449 : memref<1000000x32xf32, #tpu.memory_space<hbm>>) target(%arg10 : memref<128x32xf32, #tpu.memory_space<vmem>>) offsets(%dma_start3A_446 : memref<128xi32, #tpu.memory_space<vmem>>) semaphore(%arg22 : memref<!tpu.dma_semaphore, #tpu.memory_space<semaphore_mem>>)
        %dma_start3A_450 = arith.constant 0 : i32
        %dma_start3A_451 = arith.constant 0 : i32
        %dma_start3A_452 = tpu.memref_slice %arg9[%add3A_442, %dma_start3A_450, %dma_start3A_451] : memref<200x1x128xi32, #tpu.memory_space<vmem>> -> memref<1x1x128xi32, #tpu.memory_space<vmem>>
        %dma_start3A_453 = tpu.memref_squeeze %dma_start3A_452 : memref<1x1x128xi32, #tpu.memory_space<vmem>> -> memref<128xi32, #tpu.memory_space<vmem>>
        %dma_start3A_454 = arith.constant 0 : i32
        %dma_start3A_455 = arith.constant 0 : i32
        %dma_start3A_456 = tpu.memref_slice %arg5[%dma_start3A_454, %dma_start3A_455] : memref<100000x32xf32, #tpu.memory_space<hbm>> -> memref<100000x32xf32, #tpu.memory_space<hbm>>
        tpu.enqueue_indirect_dma source(%dma_start3A_456 : memref<100000x32xf32, #tpu.memory_space<hbm>>) target(%arg14 : memref<128x32xf32, #tpu.memory_space<vmem>>) offsets(%dma_start3A_453 : memref<128xi32, #tpu.memory_space<vmem>>) semaphore(%arg26 : memref<!tpu.dma_semaphore, #tpu.memory_space<semaphore_mem>>)
      } else {
      }
      %dma_wait3A_275 = arith.constant 0 : i32
      %dma_wait3A_276 = arith.constant 0 : i32
      %dma_wait3A_277 = tpu.memref_slice %arg4[%dma_wait3A_275, %dma_wait3A_276] : memref<1000000x32xf32, #tpu.memory_space<hbm>> -> memref<128x32xf32, #tpu.memory_space<hbm>>
      %dma_wait3A_278 = arith.constant 0 : i32
      %dma_wait3A_279 = arith.constant 0 : i32
      %dma_wait3A_280 = tpu.memref_slice %arg4[%dma_wait3A_278, %dma_wait3A_279] : memref<1000000x32xf32, #tpu.memory_space<hbm>> -> memref<128x32xf32, #tpu.memory_space<hbm>>
      tpu.wait_dma2 semaphore(%arg23 : memref<!tpu.dma_semaphore, #tpu.memory_space<semaphore_mem>>) src(%dma_wait3A_280 : memref<128x32xf32, #tpu.memory_space<hbm>>) dst(%arg11 : memref<128x32xf32, #tpu.memory_space<vmem>>)
      %dma_wait3A_281 = arith.constant 0 : i32
      %dma_wait3A_282 = arith.constant 0 : i32
      %dma_wait3A_283 = tpu.memref_slice %arg5[%dma_wait3A_281, %dma_wait3A_282] : memref<100000x32xf32, #tpu.memory_space<hbm>> -> memref<128x32xf32, #tpu.memory_space<hbm>>
      %dma_wait3A_284 = arith.constant 0 : i32
      %dma_wait3A_285 = arith.constant 0 : i32
      %dma_wait3A_286 = tpu.memref_slice %arg5[%dma_wait3A_284, %dma_wait3A_285] : memref<100000x32xf32, #tpu.memory_space<hbm>> -> memref<128x32xf32, #tpu.memory_space<hbm>>
      tpu.wait_dma2 semaphore(%arg27 : memref<!tpu.dma_semaphore, #tpu.memory_space<semaphore_mem>>) src(%dma_wait3A_286 : memref<128x32xf32, #tpu.memory_space<hbm>>) dst(%arg15 : memref<128x32xf32, #tpu.memory_space<vmem>>)
      %scan3A_287 = arith.constant 0 : i32
      %scan3A_288 = arith.constant 32 : i32
      %scan3A_289 = arith.addi %scan3A_287, %scan3A_288 : i32
      %scan3A_290 = arith.constant 1 : i32
      scf.for %scan3A_441 = %scan3A_287 to %scan3A_289 step %scan3A_290  : i32 {
        %mul3A_442 = arith.constant 4 : i32
        %mul3A_443 = arith.muli %scan3A_441, %mul3A_442 : i32
        %add3A_444 = arith.constant 0 : i32
        %add3A_445 = arith.addi %mul3A_443, %add3A_444 : i32
        %broadcast_in_dim3A_446 = vector.broadcast %add3A_445 : i32 to vector<16xi32>
        %add3A_447 = arith.constant 1 : i32
        %add3A_448 = arith.addi %mul3A_443, %add3A_447 : i32
        %broadcast_in_dim3A_449 = vector.broadcast %add3A_448 : i32 to vector<16xi32>
        %add3A_450 = arith.constant 2 : i32
        %add3A_451 = arith.addi %mul3A_443, %add3A_450 : i32
        %broadcast_in_dim3A_452 = vector.broadcast %add3A_451 : i32 to vector<16xi32>
        %add3A_453 = arith.constant 3 : i32
        %add3A_454 = arith.addi %mul3A_443, %add3A_453 : i32
        %broadcast_in_dim3A_455 = vector.broadcast %add3A_454 : i32 to vector<16xi32>
        %add3A_456 = arith.constant 0 : i32
        %add3A_457 = arith.addi %mul3A_443, %add3A_456 : i32
        %get3A = arith.index_cast %add3A_457 : i32 to index
        %get3A_458 = arith.constant 0 : index
        %get3A_459 = tpu.vector_load %arg11[%get3A, %get3A_458] {strides = array<i32>} : memref<128x32xf32, #tpu.memory_space<vmem>>, vector<16xf32>,
        %add3A_460 = arith.constant 1 : i32
        %add3A_461 = arith.addi %mul3A_443, %add3A_460 : i32
        %get3A_462 = arith.index_cast %add3A_461 : i32 to index
        %get3A_463 = arith.constant 0 : index
        %get3A_464 = tpu.vector_load %arg11[%get3A_462, %get3A_463] {strides = array<i32>} : memref<128x32xf32, #tpu.memory_space<vmem>>, vector<16xf32>,
        %add3A_465 = arith.constant 2 : i32
        %add3A_466 = arith.addi %mul3A_443, %add3A_465 : i32
        %get3A_467 = arith.index_cast %add3A_466 : i32 to index
        %get3A_468 = arith.constant 0 : index
        %get3A_469 = tpu.vector_load %arg11[%get3A_467, %get3A_468] {strides = array<i32>} : memref<128x32xf32, #tpu.memory_space<vmem>>, vector<16xf32>,
        %add3A_470 = arith.constant 3 : i32
        %add3A_471 = arith.addi %mul3A_443, %add3A_470 : i32
        %get3A_472 = arith.index_cast %add3A_471 : i32 to index
        %get3A_473 = arith.constant 0 : index
        %get3A_474 = tpu.vector_load %arg11[%get3A_472, %get3A_473] {strides = array<i32>} : memref<128x32xf32, #tpu.memory_space<vmem>>, vector<16xf32>,
        %add3A_475 = arith.constant 0 : i32
        %add3A_476 = arith.addi %mul3A_443, %add3A_475 : i32
        %get3A_477 = arith.index_cast %add3A_476 : i32 to index
        %get3A_478 = arith.constant 0 : index
        %get3A_479 = tpu.vector_load %arg15[%get3A_477, %get3A_478] {strides = array<i32>} : memref<128x32xf32, #tpu.memory_space<vmem>>, vector<16xf32>,
        %add3A_480 = arith.constant 1 : i32
        %add3A_481 = arith.addi %mul3A_443, %add3A_480 : i32
        %get3A_482 = arith.index_cast %add3A_481 : i32 to index
        %get3A_483 = arith.constant 0 : index
        %get3A_484 = tpu.vector_load %arg15[%get3A_482, %get3A_483] {strides = array<i32>} : memref<128x32xf32, #tpu.memory_space<vmem>>, vector<16xf32>,
        %add3A_485 = arith.constant 2 : i32
        %add3A_486 = arith.addi %mul3A_443, %add3A_485 : i32
        %get3A_487 = arith.index_cast %add3A_486 : i32 to index
        %get3A_488 = arith.constant 0 : index
        %get3A_489 = tpu.vector_load %arg15[%get3A_487, %get3A_488] {strides = array<i32>} : memref<128x32xf32, #tpu.memory_space<vmem>>, vector<16xf32>,
        %add3A_490 = arith.constant 3 : i32
        %add3A_491 = arith.addi %mul3A_443, %add3A_490 : i32
        %get3A_492 = arith.index_cast %add3A_491 : i32 to index
        %get3A_493 = arith.constant 0 : index
        %get3A_494 = tpu.vector_load %arg15[%get3A_492, %get3A_493] {strides = array<i32>} : memref<128x32xf32, #tpu.memory_space<vmem>>, vector<16xf32>,
        tpu.vector_store_idx %arg18[%broadcast_in_dim3A_82, %select_n3A, %broadcast_in_dim3A_78, %select_n3A_77, %broadcast_in_dim3A_446], %get3A_459 : memref<2x4x1x8x129xf32, #tpu.memory_space<vmem>>[vector<16xi32>, vector<16xi32>, vector<16xi32>, vector<16xi32>, vector<16xi32>], vector<16xf32>,
        tpu.vector_store_idx %arg18[%broadcast_in_dim3A_82, %select_n3A, %broadcast_in_dim3A_78, %select_n3A_77, %broadcast_in_dim3A_449], %get3A_464 : memref<2x4x1x8x129xf32, #tpu.memory_space<vmem>>[vector<16xi32>, vector<16xi32>, vector<16xi32>, vector<16xi32>, vector<16xi32>], vector<16xf32>,
        tpu.vector_store_idx %arg18[%broadcast_in_dim3A_82, %select_n3A, %broadcast_in_dim3A_78, %select_n3A_77, %broadcast_in_dim3A_452], %get3A_469 : memref<2x4x1x8x129xf32, #tpu.memory_space<vmem>>[vector<16xi32>, vector<16xi32>, vector<16xi32>, vector<16xi32>, vector<16xi32>], vector<16xf32>,
        tpu.vector_store_idx %arg18[%broadcast_in_dim3A_82, %select_n3A, %broadcast_in_dim3A_78, %select_n3A_77, %broadcast_in_dim3A_455], %get3A_474 : memref<2x4x1x8x129xf32, #tpu.memory_space<vmem>>[vector<16xi32>, vector<16xi32>, vector<16xi32>, vector<16xi32>, vector<16xi32>], vector<16xf32>,
        tpu.vector_store_idx %arg20[%broadcast_in_dim3A_82, %select_n3A, %broadcast_in_dim3A_78, %select_n3A_77, %broadcast_in_dim3A_446], %get3A_479 : memref<2x4x1x8x129xf32, #tpu.memory_space<vmem>>[vector<16xi32>, vector<16xi32>, vector<16xi32>, vector<16xi32>, vector<16xi32>], vector<16xf32>,
        tpu.vector_store_idx %arg20[%broadcast_in_dim3A_82, %select_n3A, %broadcast_in_dim3A_78, %select_n3A_77, %broadcast_in_dim3A_449], %get3A_484 : memref<2x4x1x8x129xf32, #tpu.memory_space<vmem>>[vector<16xi32>, vector<16xi32>, vector<16xi32>, vector<16xi32>, vector<16xi32>], vector<16xf32>,
        tpu.vector_store_idx %arg20[%broadcast_in_dim3A_82, %select_n3A, %broadcast_in_dim3A_78, %select_n3A_77, %broadcast_in_dim3A_452], %get3A_489 : memref<2x4x1x8x129xf32, #tpu.memory_space<vmem>>[vector<16xi32>, vector<16xi32>, vector<16xi32>, vector<16xi32>, vector<16xi32>], vector<16xf32>,
        tpu.vector_store_idx %arg20[%broadcast_in_dim3A_82, %select_n3A, %broadcast_in_dim3A_78, %select_n3A_77, %broadcast_in_dim3A_455], %get3A_494 : memref<2x4x1x8x129xf32, #tpu.memory_space<vmem>>[vector<16xi32>, vector<16xi32>, vector<16xi32>, vector<16xi32>, vector<16xi32>], vector<16xf32>,
        %add3A_495 = arith.constant 0 : i32
        %add3A_496 = arith.addi %mul3A_443, %add3A_495 : i32
        %get3A_497 = arith.index_cast %add3A_496 : i32 to index
        %get3A_498 = arith.constant 16 : index
        %get3A_499 = tpu.vector_load %arg11[%get3A_497, %get3A_498] {strides = array<i32>} : memref<128x32xf32, #tpu.memory_space<vmem>>, vector<16xf32>,
        %add3A_500 = arith.constant 1 : i32
        %add3A_501 = arith.addi %mul3A_443, %add3A_500 : i32
        %get3A_502 = arith.index_cast %add3A_501 : i32 to index
        %get3A_503 = arith.constant 16 : index
        %get3A_504 = tpu.vector_load %arg11[%get3A_502, %get3A_503] {strides = array<i32>} : memref<128x32xf32, #tpu.memory_space<vmem>>, vector<16xf32>,
        %add3A_505 = arith.constant 2 : i32
        %add3A_506 = arith.addi %mul3A_443, %add3A_505 : i32
        %get3A_507 = arith.index_cast %add3A_506 : i32 to index
        %get3A_508 = arith.constant 16 : index
        %get3A_509 = tpu.vector_load %arg11[%get3A_507, %get3A_508] {strides = array<i32>} : memref<128x32xf32, #tpu.memory_space<vmem>>, vector<16xf32>,
        %add3A_510 = arith.constant 3 : i32
        %add3A_511 = arith.addi %mul3A_443, %add3A_510 : i32
        %get3A_512 = arith.index_cast %add3A_511 : i32 to index
        %get3A_513 = arith.constant 16 : index
        %get3A_514 = tpu.vector_load %arg11[%get3A_512, %get3A_513] {strides = array<i32>} : memref<128x32xf32, #tpu.memory_space<vmem>>, vector<16xf32>,
        %add3A_515 = arith.constant 0 : i32
        %add3A_516 = arith.addi %mul3A_443, %add3A_515 : i32
        %get3A_517 = arith.index_cast %add3A_516 : i32 to index
        %get3A_518 = arith.constant 16 : index
        %get3A_519 = tpu.vector_load %arg15[%get3A_517, %get3A_518] {strides = array<i32>} : memref<128x32xf32, #tpu.memory_space<vmem>>, vector<16xf32>,
        %add3A_520 = arith.constant 1 : i32
        %add3A_521 = arith.addi %mul3A_443, %add3A_520 : i32
        %get3A_522 = arith.index_cast %add3A_521 : i32 to index
        %get3A_523 = arith.constant 16 : index
        %get3A_524 = tpu.vector_load %arg15[%get3A_522, %get3A_523] {strides = array<i32>} : memref<128x32xf32, #tpu.memory_space<vmem>>, vector<16xf32>,
        %add3A_525 = arith.constant 2 : i32
        %add3A_526 = arith.addi %mul3A_443, %add3A_525 : i32
        %get3A_527 = arith.index_cast %add3A_526 : i32 to index
        %get3A_528 = arith.constant 16 : index
        %get3A_529 = tpu.vector_load %arg15[%get3A_527, %get3A_528] {strides = array<i32>} : memref<128x32xf32, #tpu.memory_space<vmem>>, vector<16xf32>,
        %add3A_530 = arith.constant 3 : i32
        %add3A_531 = arith.addi %mul3A_443, %add3A_530 : i32
        %get3A_532 = arith.index_cast %add3A_531 : i32 to index
        %get3A_533 = arith.constant 16 : index
        %get3A_534 = tpu.vector_load %arg15[%get3A_532, %get3A_533] {strides = array<i32>} : memref<128x32xf32, #tpu.memory_space<vmem>>, vector<16xf32>,
        tpu.vector_store_idx %arg18[%broadcast_in_dim3A_82, %add3A_57, %broadcast_in_dim3A_78, %select_n3A_77, %broadcast_in_dim3A_446], %get3A_499 : memref<2x4x1x8x129xf32, #tpu.memory_space<vmem>>[vector<16xi32>, vector<16xi32>, vector<16xi32>, vector<16xi32>, vector<16xi32>], vector<16xf32>,
        tpu.vector_store_idx %arg18[%broadcast_in_dim3A_82, %add3A_57, %broadcast_in_dim3A_78, %select_n3A_77, %broadcast_in_dim3A_449], %get3A_504 : memref<2x4x1x8x129xf32, #tpu.memory_space<vmem>>[vector<16xi32>, vector<16xi32>, vector<16xi32>, vector<16xi32>, vector<16xi32>], vector<16xf32>,
        tpu.vector_store_idx %arg18[%broadcast_in_dim3A_82, %add3A_57, %broadcast_in_dim3A_78, %select_n3A_77, %broadcast_in_dim3A_452], %get3A_509 : memref<2x4x1x8x129xf32, #tpu.memory_space<vmem>>[vector<16xi32>, vector<16xi32>, vector<16xi32>, vector<16xi32>, vector<16xi32>], vector<16xf32>,
        tpu.vector_store_idx %arg18[%broadcast_in_dim3A_82, %add3A_57, %broadcast_in_dim3A_78, %select_n3A_77, %broadcast_in_dim3A_455], %get3A_514 : memref<2x4x1x8x129xf32, #tpu.memory_space<vmem>>[vector<16xi32>, vector<16xi32>, vector<16xi32>, vector<16xi32>, vector<16xi32>], vector<16xf32>,
        tpu.vector_store_idx %arg20[%broadcast_in_dim3A_82, %add3A_57, %broadcast_in_dim3A_78, %select_n3A_77, %broadcast_in_dim3A_446], %get3A_519 : memref<2x4x1x8x129xf32, #tpu.memory_space<vmem>>[vector<16xi32>, vector<16xi32>, vector<16xi32>, vector<16xi32>, vector<16xi32>], vector<16xf32>,
        tpu.vector_store_idx %arg20[%broadcast_in_dim3A_82, %add3A_57, %broadcast_in_dim3A_78, %select_n3A_77, %broadcast_in_dim3A_449], %get3A_524 : memref<2x4x1x8x129xf32, #tpu.memory_space<vmem>>[vector<16xi32>, vector<16xi32>, vector<16xi32>, vector<16xi32>, vector<16xi32>], vector<16xf32>,
        tpu.vector_store_idx %arg20[%broadcast_in_dim3A_82, %add3A_57, %broadcast_in_dim3A_78, %select_n3A_77, %broadcast_in_dim3A_452], %get3A_529 : memref<2x4x1x8x129xf32, #tpu.memory_space<vmem>>[vector<16xi32>, vector<16xi32>, vector<16xi32>, vector<16xi32>, vector<16xi32>], vector<16xf32>,
        tpu.vector_store_idx %arg20[%broadcast_in_dim3A_82, %add3A_57, %broadcast_in_dim3A_78, %select_n3A_77, %broadcast_in_dim3A_455], %get3A_534 : memref<2x4x1x8x129xf32, #tpu.memory_space<vmem>>[vector<16xi32>, vector<16xi32>, vector<16xi32>, vector<16xi32>, vector<16xi32>], vector<16xf32>,
      }
      %scan3A_291 = arith.constant 32 : i32
      %mul3A_292 = arith.constant 2 : i32
      %mul3A_293 = arith.muli %add3A_233, %mul3A_292 : i32
      %dma_start3A_294 = arith.constant 0 : i32
      %dma_start3A_295 = arith.constant 0 : i32
      %dma_start3A_296 = arith.constant 0 : i32
      %dma_start3A_297 = arith.constant 0 : i32
      %dma_start3A_298 = arith.constant 0 : i32
      %dma_start3A_299 = tpu.memref_slice %arg18[%dma_start3A_294, %dma_start3A_295, %dma_start3A_296, %dma_start3A_297, %dma_start3A_298] : memref<2x4x1x8x129xf32, #tpu.memory_space<vmem>> -> memref<2x4x1x8x128xf32, #tpu.memory_space<vmem>>
      %dma_start3A_300 = arith.constant 0 : i32
      %dma_start3A_301 = arith.constant 0 : i32
      %dma_start3A_302 = arith.constant 0 : i32
      %dma_start3A_303 = tpu.memref_slice %arg6[%mul3A_293, %dma_start3A_300, %add3A, %dma_start3A_301, %dma_start3A_302] : memref<200x4x32x8x128xf32, #tpu.memory_space<hbm>> -> memref<2x4x1x8x128xf32, #tpu.memory_space<hbm>>
      %dma_start3A_304 = arith.constant 0 : i32
      %dma_start3A_305 = arith.constant 0 : i32
      %dma_start3A_306 = arith.constant 0 : i32
      %dma_start3A_307 = tpu.memref_slice %arg6[%mul3A_293, %dma_start3A_304, %add3A, %dma_start3A_305, %dma_start3A_306] : memref<200x4x32x8x128xf32, #tpu.memory_space<hbm>> -> memref<2x4x1x8x128xf32, #tpu.memory_space<hbm>>
      %dma_start3A_308 = arith.constant 0 : i32
      %dma_start3A_309 = arith.constant 0 : i32
      %dma_start3A_310 = arith.constant 0 : i32
      %dma_start3A_311 = arith.constant 0 : i32
      %dma_start3A_312 = arith.constant 0 : i32
      %dma_start3A_313 = tpu.memref_slice %arg18[%dma_start3A_308, %dma_start3A_309, %dma_start3A_310, %dma_start3A_311, %dma_start3A_312] : memref<2x4x1x8x129xf32, #tpu.memory_space<vmem>> -> memref<2x4x1x8x128xf32, #tpu.memory_space<vmem>>
      tpu.enqueue_dma source(%dma_start3A_313 : memref<2x4x1x8x128xf32, #tpu.memory_space<vmem>>) target(%dma_start3A_307 : memref<2x4x1x8x128xf32, #tpu.memory_space<hbm>>) target_semaphore(%arg30 : memref<!tpu.dma_semaphore, #tpu.memory_space<semaphore_mem>>)
      %dma_start3A_314 = arith.constant 0 : i32
      %dma_start3A_315 = arith.constant 0 : i32
      %dma_start3A_316 = arith.constant 0 : i32
      %dma_start3A_317 = arith.constant 0 : i32
      %dma_start3A_318 = arith.constant 0 : i32
      %dma_start3A_319 = tpu.memref_slice %arg20[%dma_start3A_314, %dma_start3A_315, %dma_start3A_316, %dma_start3A_317, %dma_start3A_318] : memref<2x4x1x8x129xf32, #tpu.memory_space<vmem>> -> memref<2x4x1x8x128xf32, #tpu.memory_space<vmem>>
      %dma_start3A_320 = arith.constant 0 : i32
      %dma_start3A_321 = arith.constant 0 : i32
      %dma_start3A_322 = arith.constant 0 : i32
      %dma_start3A_323 = tpu.memref_slice %arg7[%mul3A_293, %dma_start3A_320, %add3A, %dma_start3A_321, %dma_start3A_322] : memref<200x4x32x8x128xf32, #tpu.memory_space<hbm>> -> memref<2x4x1x8x128xf32, #tpu.memory_space<hbm>>
      %dma_start3A_324 = arith.constant 0 : i32
      %dma_start3A_325 = arith.constant 0 : i32
      %dma_start3A_326 = arith.constant 0 : i32
      %dma_start3A_327 = tpu.memref_slice %arg7[%mul3A_293, %dma_start3A_324, %add3A, %dma_start3A_325, %dma_start3A_326] : memref<200x4x32x8x128xf32, #tpu.memory_space<hbm>> -> memref<2x4x1x8x128xf32, #tpu.memory_space<hbm>>
      %dma_start3A_328 = arith.constant 0 : i32
      %dma_start3A_329 = arith.constant 0 : i32
      %dma_start3A_330 = arith.constant 0 : i32
      %dma_start3A_331 = arith.constant 0 : i32
      %dma_start3A_332 = arith.constant 0 : i32
      %dma_start3A_333 = tpu.memref_slice %arg20[%dma_start3A_328, %dma_start3A_329, %dma_start3A_330, %dma_start3A_331, %dma_start3A_332] : memref<2x4x1x8x129xf32, #tpu.memory_space<vmem>> -> memref<2x4x1x8x128xf32, #tpu.memory_space<vmem>>
      tpu.enqueue_dma source(%dma_start3A_333 : memref<2x4x1x8x128xf32, #tpu.memory_space<vmem>>) target(%dma_start3A_327 : memref<2x4x1x8x128xf32, #tpu.memory_space<hbm>>) target_semaphore(%arg32 : memref<!tpu.dma_semaphore, #tpu.memory_space<semaphore_mem>>)
      %mul3A_334 = arith.constant 2 : i32
      %mul3A_335 = arith.muli %mul3A_334, %scan3A_229 : i32
      %add3A_336 = arith.constant 1 : i32
      %add3A_337 = arith.addi %mul3A_335, %add3A_336 : i32
      %ge3A_338 = arith.constant 2 : i32
      %ge3A_339 = arith.cmpi sge, %add3A_337, %ge3A_338 : i32
      %convert_element_type3A_340 = arith.extui %ge3A_339 : i1 to i32
      %cond3A_341 = arith.constant 0 : i32
      %cond3A_342 = arith.cmpi ne, %convert_element_type3A_340, %cond3A_341 : i32
      scf.if %cond3A_342 {
        %dma_wait3A_441 = arith.constant 0 : i32
        %dma_wait3A_442 = arith.constant 0 : i32
        %dma_wait3A_443 = arith.constant 0 : i32
        %dma_wait3A_444 = arith.constant 0 : i32
        %dma_wait3A_445 = arith.constant 0 : i32
        %dma_wait3A_446 = tpu.memref_slice %arg19[%dma_wait3A_441, %dma_wait3A_442, %dma_wait3A_443, %dma_wait3A_444, %dma_wait3A_445] : memref<2x4x1x8x129xf32, #tpu.memory_space<vmem>> -> memref<2x4x1x8x128xf32, #tpu.memory_space<vmem>>
        %dma_wait3A_447 = arith.constant 0 : i32
        %dma_wait3A_448 = arith.constant 0 : i32
        %dma_wait3A_449 = arith.constant 0 : i32
        %dma_wait3A_450 = arith.constant 0 : i32
        %dma_wait3A_451 = arith.constant 0 : i32
        %dma_wait3A_452 = tpu.memref_slice %arg6[%dma_wait3A_447, %dma_wait3A_448, %dma_wait3A_449, %dma_wait3A_450, %dma_wait3A_451] : memref<200x4x32x8x128xf32, #tpu.memory_space<hbm>> -> memref<2x4x1x8x128xf32, #tpu.memory_space<hbm>>
        %dma_wait3A_453 = arith.constant 0 : i32
        %dma_wait3A_454 = arith.constant 0 : i32
        %dma_wait3A_455 = arith.constant 0 : i32
        %dma_wait3A_456 = arith.constant 0 : i32
        %dma_wait3A_457 = arith.constant 0 : i32
        %dma_wait3A_458 = tpu.memref_slice %arg6[%dma_wait3A_453, %dma_wait3A_454, %dma_wait3A_455, %dma_wait3A_456, %dma_wait3A_457] : memref<200x4x32x8x128xf32, #tpu.memory_space<hbm>> -> memref<2x4x1x8x128xf32, #tpu.memory_space<hbm>>
        %dma_wait3A_459 = arith.constant 0 : i32
        %dma_wait3A_460 = arith.constant 0 : i32
        %dma_wait3A_461 = arith.constant 0 : i32
        %dma_wait3A_462 = arith.constant 0 : i32
        %dma_wait3A_463 = arith.constant 0 : i32
        %dma_wait3A_464 = tpu.memref_slice %arg19[%dma_wait3A_459, %dma_wait3A_460, %dma_wait3A_461, %dma_wait3A_462, %dma_wait3A_463] : memref<2x4x1x8x129xf32, #tpu.memory_space<vmem>> -> memref<2x4x1x8x128xf32, #tpu.memory_space<vmem>>
        tpu.wait_dma2 semaphore(%arg31 : memref<!tpu.dma_semaphore, #tpu.memory_space<semaphore_mem>>) src(%dma_wait3A_464 : memref<2x4x1x8x128xf32, #tpu.memory_space<vmem>>) dst(%dma_wait3A_458 : memref<2x4x1x8x128xf32, #tpu.memory_space<hbm>>)
        %dma_wait3A_465 = arith.constant 0 : i32
        %dma_wait3A_466 = arith.constant 0 : i32
        %dma_wait3A_467 = arith.constant 0 : i32
        %dma_wait3A_468 = arith.constant 0 : i32
        %dma_wait3A_469 = arith.constant 0 : i32
        %dma_wait3A_470 = tpu.memref_slice %arg21[%dma_wait3A_465, %dma_wait3A_466, %dma_wait3A_467, %dma_wait3A_468, %dma_wait3A_469] : memref<2x4x1x8x129xf32, #tpu.memory_space<vmem>> -> memref<2x4x1x8x128xf32, #tpu.memory_space<vmem>>
        %dma_wait3A_471 = arith.constant 0 : i32
        %dma_wait3A_472 = arith.constant 0 : i32
        %dma_wait3A_473 = arith.constant 0 : i32
        %dma_wait3A_474 = arith.constant 0 : i32
        %dma_wait3A_475 = arith.constant 0 : i32
        %dma_wait3A_476 = tpu.memref_slice %arg7[%dma_wait3A_471, %dma_wait3A_472, %dma_wait3A_473, %dma_wait3A_474, %dma_wait3A_475] : memref<200x4x32x8x128xf32, #tpu.memory_space<hbm>> -> memref<2x4x1x8x128xf32, #tpu.memory_space<hbm>>
        %dma_wait3A_477 = arith.constant 0 : i32
        %dma_wait3A_478 = arith.constant 0 : i32
        %dma_wait3A_479 = arith.constant 0 : i32
        %dma_wait3A_480 = arith.constant 0 : i32
        %dma_wait3A_481 = arith.constant 0 : i32
        %dma_wait3A_482 = tpu.memref_slice %arg7[%dma_wait3A_477, %dma_wait3A_478, %dma_wait3A_479, %dma_wait3A_480, %dma_wait3A_481] : memref<200x4x32x8x128xf32, #tpu.memory_space<hbm>> -> memref<2x4x1x8x128xf32, #tpu.memory_space<hbm>>
        %dma_wait3A_483 = arith.constant 0 : i32
        %dma_wait3A_484 = arith.constant 0 : i32
        %dma_wait3A_485 = arith.constant 0 : i32
        %dma_wait3A_486 = arith.constant 0 : i32
        %dma_wait3A_487 = arith.constant 0 : i32
        %dma_wait3A_488 = tpu.memref_slice %arg21[%dma_wait3A_483, %dma_wait3A_484, %dma_wait3A_485, %dma_wait3A_486, %dma_wait3A_487] : memref<2x4x1x8x129xf32, #tpu.memory_space<vmem>> -> memref<2x4x1x8x128xf32, #tpu.memory_space<vmem>>
        tpu.wait_dma2 semaphore(%arg33 : memref<!tpu.dma_semaphore, #tpu.memory_space<semaphore_mem>>) src(%dma_wait3A_488 : memref<2x4x1x8x128xf32, #tpu.memory_space<vmem>>) dst(%dma_wait3A_482 : memref<2x4x1x8x128xf32, #tpu.memory_space<hbm>>)
      } else {
      }
      %mul3A_343 = arith.constant 2 : i32
      %mul3A_344 = arith.muli %add3A_337, %mul3A_343 : i32
      %add3A_345 = arith.constant 0 : i32
      %add3A_346 = arith.addi %mul3A_344, %add3A_345 : i32
      %add3A_347 = arith.constant 3 : i32
      %add3A_348 = arith.addi %add3A_346, %add3A_347 : i32
      %lt3A_349 = arith.constant 200 : i32
      %lt3A_350 = arith.cmpi slt, %add3A_348, %lt3A_349 : i32
      %convert_element_type3A_351 = arith.extui %lt3A_350 : i1 to i32
      %cond3A_352 = arith.constant 0 : i32
      %cond3A_353 = arith.cmpi ne, %convert_element_type3A_351, %cond3A_352 : i32
      scf.if %cond3A_353 {
        %add3A_441 = arith.constant 3 : i32
        %add3A_442 = arith.addi %add3A_346, %add3A_441 : i32
        %dma_start3A_443 = arith.constant 0 : i32
        %dma_start3A_444 = arith.constant 0 : i32
        %dma_start3A_445 = tpu.memref_slice %arg8[%add3A_442, %dma_start3A_443, %dma_start3A_444] : memref<200x1x128xi32, #tpu.memory_space<vmem>> -> memref<1x1x128xi32, #tpu.memory_space<vmem>>
        %dma_start3A_446 = tpu.memref_squeeze %dma_start3A_445 : memref<1x1x128xi32, #tpu.memory_space<vmem>> -> memref<128xi32, #tpu.memory_space<vmem>>
        %dma_start3A_447 = arith.constant 0 : i32
        %dma_start3A_448 = arith.constant 0 : i32
        %dma_start3A_449 = tpu.memref_slice %arg4[%dma_start3A_447, %dma_start3A_448] : memref<1000000x32xf32, #tpu.memory_space<hbm>> -> memref<1000000x32xf32, #tpu.memory_space<hbm>>
        tpu.enqueue_indirect_dma source(%dma_start3A_449 : memref<1000000x32xf32, #tpu.memory_space<hbm>>) target(%arg11 : memref<128x32xf32, #tpu.memory_space<vmem>>) offsets(%dma_start3A_446 : memref<128xi32, #tpu.memory_space<vmem>>) semaphore(%arg23 : memref<!tpu.dma_semaphore, #tpu.memory_space<semaphore_mem>>)
        %dma_start3A_450 = arith.constant 0 : i32
        %dma_start3A_451 = arith.constant 0 : i32
        %dma_start3A_452 = tpu.memref_slice %arg9[%add3A_442, %dma_start3A_450, %dma_start3A_451] : memref<200x1x128xi32, #tpu.memory_space<vmem>> -> memref<1x1x128xi32, #tpu.memory_space<vmem>>
        %dma_start3A_453 = tpu.memref_squeeze %dma_start3A_452 : memref<1x1x128xi32, #tpu.memory_space<vmem>> -> memref<128xi32, #tpu.memory_space<vmem>>
        %dma_start3A_454 = arith.constant 0 : i32
        %dma_start3A_455 = arith.constant 0 : i32
        %dma_start3A_456 = tpu.memref_slice %arg5[%dma_start3A_454, %dma_start3A_455] : memref<100000x32xf32, #tpu.memory_space<hbm>> -> memref<100000x32xf32, #tpu.memory_space<hbm>>
        tpu.enqueue_indirect_dma source(%dma_start3A_456 : memref<100000x32xf32, #tpu.memory_space<hbm>>) target(%arg15 : memref<128x32xf32, #tpu.memory_space<vmem>>) offsets(%dma_start3A_453 : memref<128xi32, #tpu.memory_space<vmem>>) semaphore(%arg27 : memref<!tpu.dma_semaphore, #tpu.memory_space<semaphore_mem>>)
      } else {
      }
      %dma_wait3A_354 = arith.constant 0 : i32
      %dma_wait3A_355 = arith.constant 0 : i32
      %dma_wait3A_356 = tpu.memref_slice %arg4[%dma_wait3A_354, %dma_wait3A_355] : memref<1000000x32xf32, #tpu.memory_space<hbm>> -> memref<128x32xf32, #tpu.memory_space<hbm>>
      %dma_wait3A_357 = arith.constant 0 : i32
      %dma_wait3A_358 = arith.constant 0 : i32
      %dma_wait3A_359 = tpu.memref_slice %arg4[%dma_wait3A_357, %dma_wait3A_358] : memref<1000000x32xf32, #tpu.memory_space<hbm>> -> memref<128x32xf32, #tpu.memory_space<hbm>>
      tpu.wait_dma2 semaphore(%arg24 : memref<!tpu.dma_semaphore, #tpu.memory_space<semaphore_mem>>) src(%dma_wait3A_359 : memref<128x32xf32, #tpu.memory_space<hbm>>) dst(%arg12 : memref<128x32xf32, #tpu.memory_space<vmem>>)
      %dma_wait3A_360 = arith.constant 0 : i32
      %dma_wait3A_361 = arith.constant 0 : i32
      %dma_wait3A_362 = tpu.memref_slice %arg5[%dma_wait3A_360, %dma_wait3A_361] : memref<100000x32xf32, #tpu.memory_space<hbm>> -> memref<128x32xf32, #tpu.memory_space<hbm>>
      %dma_wait3A_363 = arith.constant 0 : i32
      %dma_wait3A_364 = arith.constant 0 : i32
      %dma_wait3A_365 = tpu.memref_slice %arg5[%dma_wait3A_363, %dma_wait3A_364] : memref<100000x32xf32, #tpu.memory_space<hbm>> -> memref<128x32xf32, #tpu.memory_space<hbm>>
      tpu.wait_dma2 semaphore(%arg28 : memref<!tpu.dma_semaphore, #tpu.memory_space<semaphore_mem>>) src(%dma_wait3A_365 : memref<128x32xf32, #tpu.memory_space<hbm>>) dst(%arg16 : memref<128x32xf32, #tpu.memory_space<vmem>>)
      %scan3A_366 = arith.constant 0 : i32
      %scan3A_367 = arith.constant 32 : i32
      %scan3A_368 = arith.addi %scan3A_366, %scan3A_367 : i32
      %scan3A_369 = arith.constant 1 : i32
      scf.for %scan3A_441 = %scan3A_366 to %scan3A_368 step %scan3A_369  : i32 {
        %mul3A_442 = arith.constant 4 : i32
        %mul3A_443 = arith.muli %scan3A_441, %mul3A_442 : i32
        %add3A_444 = arith.constant 0 : i32
        %add3A_445 = arith.addi %mul3A_443, %add3A_444 : i32
        %broadcast_in_dim3A_446 = vector.broadcast %add3A_445 : i32 to vector<16xi32>
        %add3A_447 = arith.constant 1 : i32
        %add3A_448 = arith.addi %mul3A_443, %add3A_447 : i32
        %broadcast_in_dim3A_449 = vector.broadcast %add3A_448 : i32 to vector<16xi32>
        %add3A_450 = arith.constant 2 : i32
        %add3A_451 = arith.addi %mul3A_443, %add3A_450 : i32
        %broadcast_in_dim3A_452 = vector.broadcast %add3A_451 : i32 to vector<16xi32>
        %add3A_453 = arith.constant 3 : i32
        %add3A_454 = arith.addi %mul3A_443, %add3A_453 : i32
        %broadcast_in_dim3A_455 = vector.broadcast %add3A_454 : i32 to vector<16xi32>
        %add3A_456 = arith.constant 0 : i32
        %add3A_457 = arith.addi %mul3A_443, %add3A_456 : i32
        %get3A = arith.index_cast %add3A_457 : i32 to index
        %get3A_458 = arith.constant 0 : index
        %get3A_459 = tpu.vector_load %arg12[%get3A, %get3A_458] {strides = array<i32>} : memref<128x32xf32, #tpu.memory_space<vmem>>, vector<16xf32>,
        %add3A_460 = arith.constant 1 : i32
        %add3A_461 = arith.addi %mul3A_443, %add3A_460 : i32
        %get3A_462 = arith.index_cast %add3A_461 : i32 to index
        %get3A_463 = arith.constant 0 : index
        %get3A_464 = tpu.vector_load %arg12[%get3A_462, %get3A_463] {strides = array<i32>} : memref<128x32xf32, #tpu.memory_space<vmem>>, vector<16xf32>,
        %add3A_465 = arith.constant 2 : i32
        %add3A_466 = arith.addi %mul3A_443, %add3A_465 : i32
        %get3A_467 = arith.index_cast %add3A_466 : i32 to index
        %get3A_468 = arith.constant 0 : index
        %get3A_469 = tpu.vector_load %arg12[%get3A_467, %get3A_468] {strides = array<i32>} : memref<128x32xf32, #tpu.memory_space<vmem>>, vector<16xf32>,
        %add3A_470 = arith.constant 3 : i32
        %add3A_471 = arith.addi %mul3A_443, %add3A_470 : i32
        %get3A_472 = arith.index_cast %add3A_471 : i32 to index
        %get3A_473 = arith.constant 0 : index
        %get3A_474 = tpu.vector_load %arg12[%get3A_472, %get3A_473] {strides = array<i32>} : memref<128x32xf32, #tpu.memory_space<vmem>>, vector<16xf32>,
        %add3A_475 = arith.constant 0 : i32
        %add3A_476 = arith.addi %mul3A_443, %add3A_475 : i32
        %get3A_477 = arith.index_cast %add3A_476 : i32 to index
        %get3A_478 = arith.constant 0 : index
        %get3A_479 = tpu.vector_load %arg16[%get3A_477, %get3A_478] {strides = array<i32>} : memref<128x32xf32, #tpu.memory_space<vmem>>, vector<16xf32>,
        %add3A_480 = arith.constant 1 : i32
        %add3A_481 = arith.addi %mul3A_443, %add3A_480 : i32
        %get3A_482 = arith.index_cast %add3A_481 : i32 to index
        %get3A_483 = arith.constant 0 : index
        %get3A_484 = tpu.vector_load %arg16[%get3A_482, %get3A_483] {strides = array<i32>} : memref<128x32xf32, #tpu.memory_space<vmem>>, vector<16xf32>,
        %add3A_485 = arith.constant 2 : i32
        %add3A_486 = arith.addi %mul3A_443, %add3A_485 : i32
        %get3A_487 = arith.index_cast %add3A_486 : i32 to index
        %get3A_488 = arith.constant 0 : index
        %get3A_489 = tpu.vector_load %arg16[%get3A_487, %get3A_488] {strides = array<i32>} : memref<128x32xf32, #tpu.memory_space<vmem>>, vector<16xf32>,
        %add3A_490 = arith.constant 3 : i32
        %add3A_491 = arith.addi %mul3A_443, %add3A_490 : i32
        %get3A_492 = arith.index_cast %add3A_491 : i32 to index
        %get3A_493 = arith.constant 0 : index
        %get3A_494 = tpu.vector_load %arg16[%get3A_492, %get3A_493] {strides = array<i32>} : memref<128x32xf32, #tpu.memory_space<vmem>>, vector<16xf32>,
        tpu.vector_store_idx %arg19[%broadcast_in_dim3A_80, %select_n3A, %broadcast_in_dim3A_78, %select_n3A_77, %broadcast_in_dim3A_446], %get3A_459 : memref<2x4x1x8x129xf32, #tpu.memory_space<vmem>>[vector<16xi32>, vector<16xi32>, vector<16xi32>, vector<16xi32>, vector<16xi32>], vector<16xf32>,
        tpu.vector_store_idx %arg19[%broadcast_in_dim3A_80, %select_n3A, %broadcast_in_dim3A_78, %select_n3A_77, %broadcast_in_dim3A_449], %get3A_464 : memref<2x4x1x8x129xf32, #tpu.memory_space<vmem>>[vector<16xi32>, vector<16xi32>, vector<16xi32>, vector<16xi32>, vector<16xi32>], vector<16xf32>,
        tpu.vector_store_idx %arg19[%broadcast_in_dim3A_80, %select_n3A, %broadcast_in_dim3A_78, %select_n3A_77, %broadcast_in_dim3A_452], %get3A_469 : memref<2x4x1x8x129xf32, #tpu.memory_space<vmem>>[vector<16xi32>, vector<16xi32>, vector<16xi32>, vector<16xi32>, vector<16xi32>], vector<16xf32>,
        tpu.vector_store_idx %arg19[%broadcast_in_dim3A_80, %select_n3A, %broadcast_in_dim3A_78, %select_n3A_77, %broadcast_in_dim3A_455], %get3A_474 : memref<2x4x1x8x129xf32, #tpu.memory_space<vmem>>[vector<16xi32>, vector<16xi32>, vector<16xi32>, vector<16xi32>, vector<16xi32>], vector<16xf32>,
        tpu.vector_store_idx %arg21[%broadcast_in_dim3A_80, %select_n3A, %broadcast_in_dim3A_78, %select_n3A_77, %broadcast_in_dim3A_446], %get3A_479 : memref<2x4x1x8x129xf32, #tpu.memory_space<vmem>>[vector<16xi32>, vector<16xi32>, vector<16xi32>, vector<16xi32>, vector<16xi32>], vector<16xf32>,
        tpu.vector_store_idx %arg21[%broadcast_in_dim3A_80, %select_n3A, %broadcast_in_dim3A_78, %select_n3A_77, %broadcast_in_dim3A_449], %get3A_484 : memref<2x4x1x8x129xf32, #tpu.memory_space<vmem>>[vector<16xi32>, vector<16xi32>, vector<16xi32>, vector<16xi32>, vector<16xi32>], vector<16xf32>,
        tpu.vector_store_idx %arg21[%broadcast_in_dim3A_80, %select_n3A, %broadcast_in_dim3A_78, %select_n3A_77, %broadcast_in_dim3A_452], %get3A_489 : memref<2x4x1x8x129xf32, #tpu.memory_space<vmem>>[vector<16xi32>, vector<16xi32>, vector<16xi32>, vector<16xi32>, vector<16xi32>], vector<16xf32>,
        tpu.vector_store_idx %arg21[%broadcast_in_dim3A_80, %select_n3A, %broadcast_in_dim3A_78, %select_n3A_77, %broadcast_in_dim3A_455], %get3A_494 : memref<2x4x1x8x129xf32, #tpu.memory_space<vmem>>[vector<16xi32>, vector<16xi32>, vector<16xi32>, vector<16xi32>, vector<16xi32>], vector<16xf32>,
        %add3A_495 = arith.constant 0 : i32
        %add3A_496 = arith.addi %mul3A_443, %add3A_495 : i32
        %get3A_497 = arith.index_cast %add3A_496 : i32 to index
        %get3A_498 = arith.constant 16 : index
        %get3A_499 = tpu.vector_load %arg12[%get3A_497, %get3A_498] {strides = array<i32>} : memref<128x32xf32, #tpu.memory_space<vmem>>, vector<16xf32>,
        %add3A_500 = arith.constant 1 : i32
        %add3A_501 = arith.addi %mul3A_443, %add3A_500 : i32
        %get3A_502 = arith.index_cast %add3A_501 : i32 to index
        %get3A_503 = arith.constant 16 : index
        %get3A_504 = tpu.vector_load %arg12[%get3A_502, %get3A_503] {strides = array<i32>} : memref<128x32xf32, #tpu.memory_space<vmem>>, vector<16xf32>,
        %add3A_505 = arith.constant 2 : i32
        %add3A_506 = arith.addi %mul3A_443, %add3A_505 : i32
        %get3A_507 = arith.index_cast %add3A_506 : i32 to index
        %get3A_508 = arith.constant 16 : index
        %get3A_509 = tpu.vector_load %arg12[%get3A_507, %get3A_508] {strides = array<i32>} : memref<128x32xf32, #tpu.memory_space<vmem>>, vector<16xf32>,
        %add3A_510 = arith.constant 3 : i32
        %add3A_511 = arith.addi %mul3A_443, %add3A_510 : i32
        %get3A_512 = arith.index_cast %add3A_511 : i32 to index
        %get3A_513 = arith.constant 16 : index
        %get3A_514 = tpu.vector_load %arg12[%get3A_512, %get3A_513] {strides = array<i32>} : memref<128x32xf32, #tpu.memory_space<vmem>>, vector<16xf32>,
        %add3A_515 = arith.constant 0 : i32
        %add3A_516 = arith.addi %mul3A_443, %add3A_515 : i32
        %get3A_517 = arith.index_cast %add3A_516 : i32 to index
        %get3A_518 = arith.constant 16 : index
        %get3A_519 = tpu.vector_load %arg16[%get3A_517, %get3A_518] {strides = array<i32>} : memref<128x32xf32, #tpu.memory_space<vmem>>, vector<16xf32>,
        %add3A_520 = arith.constant 1 : i32
        %add3A_521 = arith.addi %mul3A_443, %add3A_520 : i32
        %get3A_522 = arith.index_cast %add3A_521 : i32 to index
        %get3A_523 = arith.constant 16 : index
        %get3A_524 = tpu.vector_load %arg16[%get3A_522, %get3A_523] {strides = array<i32>} : memref<128x32xf32, #tpu.memory_space<vmem>>, vector<16xf32>,
        %add3A_525 = arith.constant 2 : i32
        %add3A_526 = arith.addi %mul3A_443, %add3A_525 : i32
        %get3A_527 = arith.index_cast %add3A_526 : i32 to index
        %get3A_528 = arith.constant 16 : index
        %get3A_529 = tpu.vector_load %arg16[%get3A_527, %get3A_528] {strides = array<i32>} : memref<128x32xf32, #tpu.memory_space<vmem>>, vector<16xf32>,
        %add3A_530 = arith.constant 3 : i32
        %add3A_531 = arith.addi %mul3A_443, %add3A_530 : i32
        %get3A_532 = arith.index_cast %add3A_531 : i32 to index
        %get3A_533 = arith.constant 16 : index
        %get3A_534 = tpu.vector_load %arg16[%get3A_532, %get3A_533] {strides = array<i32>} : memref<128x32xf32, #tpu.memory_space<vmem>>, vector<16xf32>,
        tpu.vector_store_idx %arg19[%broadcast_in_dim3A_80, %add3A_57, %broadcast_in_dim3A_78, %select_n3A_77, %broadcast_in_dim3A_446], %get3A_499 : memref<2x4x1x8x129xf32, #tpu.memory_space<vmem>>[vector<16xi32>, vector<16xi32>, vector<16xi32>, vector<16xi32>, vector<16xi32>], vector<16xf32>,
        tpu.vector_store_idx %arg19[%broadcast_in_dim3A_80, %add3A_57, %broadcast_in_dim3A_78, %select_n3A_77, %broadcast_in_dim3A_449], %get3A_504 : memref<2x4x1x8x129xf32, #tpu.memory_space<vmem>>[vector<16xi32>, vector<16xi32>, vector<16xi32>, vector<16xi32>, vector<16xi32>], vector<16xf32>,
        tpu.vector_store_idx %arg19[%broadcast_in_dim3A_80, %add3A_57, %broadcast_in_dim3A_78, %select_n3A_77, %broadcast_in_dim3A_452], %get3A_509 : memref<2x4x1x8x129xf32, #tpu.memory_space<vmem>>[vector<16xi32>, vector<16xi32>, vector<16xi32>, vector<16xi32>, vector<16xi32>], vector<16xf32>,
        tpu.vector_store_idx %arg19[%broadcast_in_dim3A_80, %add3A_57, %broadcast_in_dim3A_78, %select_n3A_77, %broadcast_in_dim3A_455], %get3A_514 : memref<2x4x1x8x129xf32, #tpu.memory_space<vmem>>[vector<16xi32>, vector<16xi32>, vector<16xi32>, vector<16xi32>, vector<16xi32>], vector<16xf32>,
        tpu.vector_store_idx %arg21[%broadcast_in_dim3A_80, %add3A_57, %broadcast_in_dim3A_78, %select_n3A_77, %broadcast_in_dim3A_446], %get3A_519 : memref<2x4x1x8x129xf32, #tpu.memory_space<vmem>>[vector<16xi32>, vector<16xi32>, vector<16xi32>, vector<16xi32>, vector<16xi32>], vector<16xf32>,
        tpu.vector_store_idx %arg21[%broadcast_in_dim3A_80, %add3A_57, %broadcast_in_dim3A_78, %select_n3A_77, %broadcast_in_dim3A_449], %get3A_524 : memref<2x4x1x8x129xf32, #tpu.memory_space<vmem>>[vector<16xi32>, vector<16xi32>, vector<16xi32>, vector<16xi32>, vector<16xi32>], vector<16xf32>,
        tpu.vector_store_idx %arg21[%broadcast_in_dim3A_80, %add3A_57, %broadcast_in_dim3A_78, %select_n3A_77, %broadcast_in_dim3A_452], %get3A_529 : memref<2x4x1x8x129xf32, #tpu.memory_space<vmem>>[vector<16xi32>, vector<16xi32>, vector<16xi32>, vector<16xi32>, vector<16xi32>], vector<16xf32>,
        tpu.vector_store_idx %arg21[%broadcast_in_dim3A_80, %add3A_57, %broadcast_in_dim3A_78, %select_n3A_77, %broadcast_in_dim3A_455], %get3A_534 : memref<2x4x1x8x129xf32, #tpu.memory_space<vmem>>[vector<16xi32>, vector<16xi32>, vector<16xi32>, vector<16xi32>, vector<16xi32>], vector<16xf32>,
      }
      %scan3A_370 = arith.constant 32 : i32
      %mul3A_371 = arith.constant 2 : i32
      %mul3A_372 = arith.muli %add3A_337, %mul3A_371 : i32
      %add3A_373 = arith.constant 1 : i32
      %add3A_374 = arith.addi %mul3A_372, %add3A_373 : i32
      %add3A_375 = arith.constant 3 : i32
      %add3A_376 = arith.addi %add3A_374, %add3A_375 : i32
      %lt3A_377 = arith.constant 200 : i32
      %lt3A_378 = arith.cmpi slt, %add3A_376, %lt3A_377 : i32
      %convert_element_type3A_379 = arith.extui %lt3A_378 : i1 to i32
      %cond3A_380 = arith.constant 0 : i32
      %cond3A_381 = arith.cmpi ne, %convert_element_type3A_379, %cond3A_380 : i32
      scf.if %cond3A_381 {
        %add3A_441 = arith.constant 3 : i32
        %add3A_442 = arith.addi %add3A_374, %add3A_441 : i32
        %dma_start3A_443 = arith.constant 0 : i32
        %dma_start3A_444 = arith.constant 0 : i32
        %dma_start3A_445 = tpu.memref_slice %arg8[%add3A_442, %dma_start3A_443, %dma_start3A_444] : memref<200x1x128xi32, #tpu.memory_space<vmem>> -> memref<1x1x128xi32, #tpu.memory_space<vmem>>
        %dma_start3A_446 = tpu.memref_squeeze %dma_start3A_445 : memref<1x1x128xi32, #tpu.memory_space<vmem>> -> memref<128xi32, #tpu.memory_space<vmem>>
        %dma_start3A_447 = arith.constant 0 : i32
        %dma_start3A_448 = arith.constant 0 : i32
        %dma_start3A_449 = tpu.memref_slice %arg4[%dma_start3A_447, %dma_start3A_448] : memref<1000000x32xf32, #tpu.memory_space<hbm>> -> memref<1000000x32xf32, #tpu.memory_space<hbm>>
        tpu.enqueue_indirect_dma source(%dma_start3A_449 : memref<1000000x32xf32, #tpu.memory_space<hbm>>) target(%arg12 : memref<128x32xf32, #tpu.memory_space<vmem>>) offsets(%dma_start3A_446 : memref<128xi32, #tpu.memory_space<vmem>>) semaphore(%arg24 : memref<!tpu.dma_semaphore, #tpu.memory_space<semaphore_mem>>)
        %dma_start3A_450 = arith.constant 0 : i32
        %dma_start3A_451 = arith.constant 0 : i32
        %dma_start3A_452 = tpu.memref_slice %arg9[%add3A_442, %dma_start3A_450, %dma_start3A_451] : memref<200x1x128xi32, #tpu.memory_space<vmem>> -> memref<1x1x128xi32, #tpu.memory_space<vmem>>
        %dma_start3A_453 = tpu.memref_squeeze %dma_start3A_452 : memref<1x1x128xi32, #tpu.memory_space<vmem>> -> memref<128xi32, #tpu.memory_space<vmem>>
        %dma_start3A_454 = arith.constant 0 : i32
        %dma_start3A_455 = arith.constant 0 : i32
        %dma_start3A_456 = tpu.memref_slice %arg5[%dma_start3A_454, %dma_start3A_455] : memref<100000x32xf32, #tpu.memory_space<hbm>> -> memref<100000x32xf32, #tpu.memory_space<hbm>>
        tpu.enqueue_indirect_dma source(%dma_start3A_456 : memref<100000x32xf32, #tpu.memory_space<hbm>>) target(%arg16 : memref<128x32xf32, #tpu.memory_space<vmem>>) offsets(%dma_start3A_453 : memref<128xi32, #tpu.memory_space<vmem>>) semaphore(%arg28 : memref<!tpu.dma_semaphore, #tpu.memory_space<semaphore_mem>>)
      } else {
      }
      %dma_wait3A_382 = arith.constant 0 : i32
      %dma_wait3A_383 = arith.constant 0 : i32
      %dma_wait3A_384 = tpu.memref_slice %arg4[%dma_wait3A_382, %dma_wait3A_383] : memref<1000000x32xf32, #tpu.memory_space<hbm>> -> memref<128x32xf32, #tpu.memory_space<hbm>>
      %dma_wait3A_385 = arith.constant 0 : i32
      %dma_wait3A_386 = arith.constant 0 : i32
      %dma_wait3A_387 = tpu.memref_slice %arg4[%dma_wait3A_385, %dma_wait3A_386] : memref<1000000x32xf32, #tpu.memory_space<hbm>> -> memref<128x32xf32, #tpu.memory_space<hbm>>
      tpu.wait_dma2 semaphore(%arg25 : memref<!tpu.dma_semaphore, #tpu.memory_space<semaphore_mem>>) src(%dma_wait3A_387 : memref<128x32xf32, #tpu.memory_space<hbm>>) dst(%arg13 : memref<128x32xf32, #tpu.memory_space<vmem>>)
      %dma_wait3A_388 = arith.constant 0 : i32
      %dma_wait3A_389 = arith.constant 0 : i32
      %dma_wait3A_390 = tpu.memref_slice %arg5[%dma_wait3A_388, %dma_wait3A_389] : memref<100000x32xf32, #tpu.memory_space<hbm>> -> memref<128x32xf32, #tpu.memory_space<hbm>>
      %dma_wait3A_391 = arith.constant 0 : i32
      %dma_wait3A_392 = arith.constant 0 : i32
      %dma_wait3A_393 = tpu.memref_slice %arg5[%dma_wait3A_391, %dma_wait3A_392] : memref<100000x32xf32, #tpu.memory_space<hbm>> -> memref<128x32xf32, #tpu.memory_space<hbm>>
      tpu.wait_dma2 semaphore(%arg29 : memref<!tpu.dma_semaphore, #tpu.memory_space<semaphore_mem>>) src(%dma_wait3A_393 : memref<128x32xf32, #tpu.memory_space<hbm>>) dst(%arg17 : memref<128x32xf32, #tpu.memory_space<vmem>>)
      %scan3A_394 = arith.constant 0 : i32
      %scan3A_395 = arith.constant 32 : i32
      %scan3A_396 = arith.addi %scan3A_394, %scan3A_395 : i32
      %scan3A_397 = arith.constant 1 : i32
      scf.for %scan3A_441 = %scan3A_394 to %scan3A_396 step %scan3A_397  : i32 {
        %mul3A_442 = arith.constant 4 : i32
        %mul3A_443 = arith.muli %scan3A_441, %mul3A_442 : i32
        %add3A_444 = arith.constant 0 : i32
        %add3A_445 = arith.addi %mul3A_443, %add3A_444 : i32
        %broadcast_in_dim3A_446 = vector.broadcast %add3A_445 : i32 to vector<16xi32>
        %add3A_447 = arith.constant 1 : i32
        %add3A_448 = arith.addi %mul3A_443, %add3A_447 : i32
        %broadcast_in_dim3A_449 = vector.broadcast %add3A_448 : i32 to vector<16xi32>
        %add3A_450 = arith.constant 2 : i32
        %add3A_451 = arith.addi %mul3A_443, %add3A_450 : i32
        %broadcast_in_dim3A_452 = vector.broadcast %add3A_451 : i32 to vector<16xi32>
        %add3A_453 = arith.constant 3 : i32
        %add3A_454 = arith.addi %mul3A_443, %add3A_453 : i32
        %broadcast_in_dim3A_455 = vector.broadcast %add3A_454 : i32 to vector<16xi32>
        %add3A_456 = arith.constant 0 : i32
        %add3A_457 = arith.addi %mul3A_443, %add3A_456 : i32
        %get3A = arith.index_cast %add3A_457 : i32 to index
        %get3A_458 = arith.constant 0 : index
        %get3A_459 = tpu.vector_load %arg13[%get3A, %get3A_458] {strides = array<i32>} : memref<128x32xf32, #tpu.memory_space<vmem>>, vector<16xf32>,
        %add3A_460 = arith.constant 1 : i32
        %add3A_461 = arith.addi %mul3A_443, %add3A_460 : i32
        %get3A_462 = arith.index_cast %add3A_461 : i32 to index
        %get3A_463 = arith.constant 0 : index
        %get3A_464 = tpu.vector_load %arg13[%get3A_462, %get3A_463] {strides = array<i32>} : memref<128x32xf32, #tpu.memory_space<vmem>>, vector<16xf32>,
        %add3A_465 = arith.constant 2 : i32
        %add3A_466 = arith.addi %mul3A_443, %add3A_465 : i32
        %get3A_467 = arith.index_cast %add3A_466 : i32 to index
        %get3A_468 = arith.constant 0 : index
        %get3A_469 = tpu.vector_load %arg13[%get3A_467, %get3A_468] {strides = array<i32>} : memref<128x32xf32, #tpu.memory_space<vmem>>, vector<16xf32>,
        %add3A_470 = arith.constant 3 : i32
        %add3A_471 = arith.addi %mul3A_443, %add3A_470 : i32
        %get3A_472 = arith.index_cast %add3A_471 : i32 to index
        %get3A_473 = arith.constant 0 : index
        %get3A_474 = tpu.vector_load %arg13[%get3A_472, %get3A_473] {strides = array<i32>} : memref<128x32xf32, #tpu.memory_space<vmem>>, vector<16xf32>,
        %add3A_475 = arith.constant 0 : i32
        %add3A_476 = arith.addi %mul3A_443, %add3A_475 : i32
        %get3A_477 = arith.index_cast %add3A_476 : i32 to index
        %get3A_478 = arith.constant 0 : index
        %get3A_479 = tpu.vector_load %arg17[%get3A_477, %get3A_478] {strides = array<i32>} : memref<128x32xf32, #tpu.memory_space<vmem>>, vector<16xf32>,
        %add3A_480 = arith.constant 1 : i32
        %add3A_481 = arith.addi %mul3A_443, %add3A_480 : i32
        %get3A_482 = arith.index_cast %add3A_481 : i32 to index
        %get3A_483 = arith.constant 0 : index
        %get3A_484 = tpu.vector_load %arg17[%get3A_482, %get3A_483] {strides = array<i32>} : memref<128x32xf32, #tpu.memory_space<vmem>>, vector<16xf32>,
        %add3A_485 = arith.constant 2 : i32
        %add3A_486 = arith.addi %mul3A_443, %add3A_485 : i32
        %get3A_487 = arith.index_cast %add3A_486 : i32 to index
        %get3A_488 = arith.constant 0 : index
        %get3A_489 = tpu.vector_load %arg17[%get3A_487, %get3A_488] {strides = array<i32>} : memref<128x32xf32, #tpu.memory_space<vmem>>, vector<16xf32>,
        %add3A_490 = arith.constant 3 : i32
        %add3A_491 = arith.addi %mul3A_443, %add3A_490 : i32
        %get3A_492 = arith.index_cast %add3A_491 : i32 to index
        %get3A_493 = arith.constant 0 : index
        %get3A_494 = tpu.vector_load %arg17[%get3A_492, %get3A_493] {strides = array<i32>} : memref<128x32xf32, #tpu.memory_space<vmem>>, vector<16xf32>,
        tpu.vector_store_idx %arg19[%broadcast_in_dim3A_82, %select_n3A, %broadcast_in_dim3A_78, %select_n3A_77, %broadcast_in_dim3A_446], %get3A_459 : memref<2x4x1x8x129xf32, #tpu.memory_space<vmem>>[vector<16xi32>, vector<16xi32>, vector<16xi32>, vector<16xi32>, vector<16xi32>], vector<16xf32>,
        tpu.vector_store_idx %arg19[%broadcast_in_dim3A_82, %select_n3A, %broadcast_in_dim3A_78, %select_n3A_77, %broadcast_in_dim3A_449], %get3A_464 : memref<2x4x1x8x129xf32, #tpu.memory_space<vmem>>[vector<16xi32>, vector<16xi32>, vector<16xi32>, vector<16xi32>, vector<16xi32>], vector<16xf32>,
        tpu.vector_store_idx %arg19[%broadcast_in_dim3A_82, %select_n3A, %broadcast_in_dim3A_78, %select_n3A_77, %broadcast_in_dim3A_452], %get3A_469 : memref<2x4x1x8x129xf32, #tpu.memory_space<vmem>>[vector<16xi32>, vector<16xi32>, vector<16xi32>, vector<16xi32>, vector<16xi32>], vector<16xf32>,
        tpu.vector_store_idx %arg19[%broadcast_in_dim3A_82, %select_n3A, %broadcast_in_dim3A_78, %select_n3A_77, %broadcast_in_dim3A_455], %get3A_474 : memref<2x4x1x8x129xf32, #tpu.memory_space<vmem>>[vector<16xi32>, vector<16xi32>, vector<16xi32>, vector<16xi32>, vector<16xi32>], vector<16xf32>,
        tpu.vector_store_idx %arg21[%broadcast_in_dim3A_82, %select_n3A, %broadcast_in_dim3A_78, %select_n3A_77, %broadcast_in_dim3A_446], %get3A_479 : memref<2x4x1x8x129xf32, #tpu.memory_space<vmem>>[vector<16xi32>, vector<16xi32>, vector<16xi32>, vector<16xi32>, vector<16xi32>], vector<16xf32>,
        tpu.vector_store_idx %arg21[%broadcast_in_dim3A_82, %select_n3A, %broadcast_in_dim3A_78, %select_n3A_77, %broadcast_in_dim3A_449], %get3A_484 : memref<2x4x1x8x129xf32, #tpu.memory_space<vmem>>[vector<16xi32>, vector<16xi32>, vector<16xi32>, vector<16xi32>, vector<16xi32>], vector<16xf32>,
        tpu.vector_store_idx %arg21[%broadcast_in_dim3A_82, %select_n3A, %broadcast_in_dim3A_78, %select_n3A_77, %broadcast_in_dim3A_452], %get3A_489 : memref<2x4x1x8x129xf32, #tpu.memory_space<vmem>>[vector<16xi32>, vector<16xi32>, vector<16xi32>, vector<16xi32>, vector<16xi32>], vector<16xf32>,
        tpu.vector_store_idx %arg21[%broadcast_in_dim3A_82, %select_n3A, %broadcast_in_dim3A_78, %select_n3A_77, %broadcast_in_dim3A_455], %get3A_494 : memref<2x4x1x8x129xf32, #tpu.memory_space<vmem>>[vector<16xi32>, vector<16xi32>, vector<16xi32>, vector<16xi32>, vector<16xi32>], vector<16xf32>,
        %add3A_495 = arith.constant 0 : i32
        %add3A_496 = arith.addi %mul3A_443, %add3A_495 : i32
        %get3A_497 = arith.index_cast %add3A_496 : i32 to index
        %get3A_498 = arith.constant 16 : index
        %get3A_499 = tpu.vector_load %arg13[%get3A_497, %get3A_498] {strides = array<i32>} : memref<128x32xf32, #tpu.memory_space<vmem>>, vector<16xf32>,
        %add3A_500 = arith.constant 1 : i32
        %add3A_501 = arith.addi %mul3A_443, %add3A_500 : i32
        %get3A_502 = arith.index_cast %add3A_501 : i32 to index
        %get3A_503 = arith.constant 16 : index
        %get3A_504 = tpu.vector_load %arg13[%get3A_502, %get3A_503] {strides = array<i32>} : memref<128x32xf32, #tpu.memory_space<vmem>>, vector<16xf32>,
        %add3A_505 = arith.constant 2 : i32
        %add3A_506 = arith.addi %mul3A_443, %add3A_505 : i32
        %get3A_507 = arith.index_cast %add3A_506 : i32 to index
        %get3A_508 = arith.constant 16 : index
        %get3A_509 = tpu.vector_load %arg13[%get3A_507, %get3A_508] {strides = array<i32>} : memref<128x32xf32, #tpu.memory_space<vmem>>, vector<16xf32>,
        %add3A_510 = arith.constant 3 : i32
        %add3A_511 = arith.addi %mul3A_443, %add3A_510 : i32
        %get3A_512 = arith.index_cast %add3A_511 : i32 to index
        %get3A_513 = arith.constant 16 : index
        %get3A_514 = tpu.vector_load %arg13[%get3A_512, %get3A_513] {strides = array<i32>} : memref<128x32xf32, #tpu.memory_space<vmem>>, vector<16xf32>,
        %add3A_515 = arith.constant 0 : i32
        %add3A_516 = arith.addi %mul3A_443, %add3A_515 : i32
        %get3A_517 = arith.index_cast %add3A_516 : i32 to index
        %get3A_518 = arith.constant 16 : index
        %get3A_519 = tpu.vector_load %arg17[%get3A_517, %get3A_518] {strides = array<i32>} : memref<128x32xf32, #tpu.memory_space<vmem>>, vector<16xf32>,
        %add3A_520 = arith.constant 1 : i32
        %add3A_521 = arith.addi %mul3A_443, %add3A_520 : i32
        %get3A_522 = arith.index_cast %add3A_521 : i32 to index
        %get3A_523 = arith.constant 16 : index
        %get3A_524 = tpu.vector_load %arg17[%get3A_522, %get3A_523] {strides = array<i32>} : memref<128x32xf32, #tpu.memory_space<vmem>>, vector<16xf32>,
        %add3A_525 = arith.constant 2 : i32
        %add3A_526 = arith.addi %mul3A_443, %add3A_525 : i32
        %get3A_527 = arith.index_cast %add3A_526 : i32 to index
        %get3A_528 = arith.constant 16 : index
        %get3A_529 = tpu.vector_load %arg17[%get3A_527, %get3A_528] {strides = array<i32>} : memref<128x32xf32, #tpu.memory_space<vmem>>, vector<16xf32>,
        %add3A_530 = arith.constant 3 : i32
        %add3A_531 = arith.addi %mul3A_443, %add3A_530 : i32
        %get3A_532 = arith.index_cast %add3A_531 : i32 to index
        %get3A_533 = arith.constant 16 : index
        %get3A_534 = tpu.vector_load %arg17[%get3A_532, %get3A_533] {strides = array<i32>} : memref<128x32xf32, #tpu.memory_space<vmem>>, vector<16xf32>,
        tpu.vector_store_idx %arg19[%broadcast_in_dim3A_82, %add3A_57, %broadcast_in_dim3A_78, %select_n3A_77, %broadcast_in_dim3A_446], %get3A_499 : memref<2x4x1x8x129xf32, #tpu.memory_space<vmem>>[vector<16xi32>, vector<16xi32>, vector<16xi32>, vector<16xi32>, vector<16xi32>], vector<16xf32>,
        tpu.vector_store_idx %arg19[%broadcast_in_dim3A_82, %add3A_57, %broadcast_in_dim3A_78, %select_n3A_77, %broadcast_in_dim3A_449], %get3A_504 : memref<2x4x1x8x129xf32, #tpu.memory_space<vmem>>[vector<16xi32>, vector<16xi32>, vector<16xi32>, vector<16xi32>, vector<16xi32>], vector<16xf32>,
        tpu.vector_store_idx %arg19[%broadcast_in_dim3A_82, %add3A_57, %broadcast_in_dim3A_78, %select_n3A_77, %broadcast_in_dim3A_452], %get3A_509 : memref<2x4x1x8x129xf32, #tpu.memory_space<vmem>>[vector<16xi32>, vector<16xi32>, vector<16xi32>, vector<16xi32>, vector<16xi32>], vector<16xf32>,
        tpu.vector_store_idx %arg19[%broadcast_in_dim3A_82, %add3A_57, %broadcast_in_dim3A_78, %select_n3A_77, %broadcast_in_dim3A_455], %get3A_514 : memref<2x4x1x8x129xf32, #tpu.memory_space<vmem>>[vector<16xi32>, vector<16xi32>, vector<16xi32>, vector<16xi32>, vector<16xi32>], vector<16xf32>,
        tpu.vector_store_idx %arg21[%broadcast_in_dim3A_82, %add3A_57, %broadcast_in_dim3A_78, %select_n3A_77, %broadcast_in_dim3A_446], %get3A_519 : memref<2x4x1x8x129xf32, #tpu.memory_space<vmem>>[vector<16xi32>, vector<16xi32>, vector<16xi32>, vector<16xi32>, vector<16xi32>], vector<16xf32>,
        tpu.vector_store_idx %arg21[%broadcast_in_dim3A_82, %add3A_57, %broadcast_in_dim3A_78, %select_n3A_77, %broadcast_in_dim3A_449], %get3A_524 : memref<2x4x1x8x129xf32, #tpu.memory_space<vmem>>[vector<16xi32>, vector<16xi32>, vector<16xi32>, vector<16xi32>, vector<16xi32>], vector<16xf32>,
        tpu.vector_store_idx %arg21[%broadcast_in_dim3A_82, %add3A_57, %broadcast_in_dim3A_78, %select_n3A_77, %broadcast_in_dim3A_452], %get3A_529 : memref<2x4x1x8x129xf32, #tpu.memory_space<vmem>>[vector<16xi32>, vector<16xi32>, vector<16xi32>, vector<16xi32>, vector<16xi32>], vector<16xf32>,
        tpu.vector_store_idx %arg21[%broadcast_in_dim3A_82, %add3A_57, %broadcast_in_dim3A_78, %select_n3A_77, %broadcast_in_dim3A_455], %get3A_534 : memref<2x4x1x8x129xf32, #tpu.memory_space<vmem>>[vector<16xi32>, vector<16xi32>, vector<16xi32>, vector<16xi32>, vector<16xi32>], vector<16xf32>,
      }
      %scan3A_398 = arith.constant 32 : i32
      %mul3A_399 = arith.constant 2 : i32
      %mul3A_400 = arith.muli %add3A_337, %mul3A_399 : i32
      %dma_start3A_401 = arith.constant 0 : i32
      %dma_start3A_402 = arith.constant 0 : i32
      %dma_start3A_403 = arith.constant 0 : i32
      %dma_start3A_404 = arith.constant 0 : i32
      %dma_start3A_405 = arith.constant 0 : i32
      %dma_start3A_406 = tpu.memref_slice %arg19[%dma_start3A_401, %dma_start3A_402, %dma_start3A_403, %dma_start3A_404, %dma_start3A_405] : memref<2x4x1x8x129xf32, #tpu.memory_space<vmem>> -> memref<2x4x1x8x128xf32, #tpu.memory_space<vmem>>
      %dma_start3A_407 = arith.constant 0 : i32
      %dma_start3A_408 = arith.constant 0 : i32
      %dma_start3A_409 = arith.constant 0 : i32
      %dma_start3A_410 = tpu.memref_slice %arg6[%mul3A_400, %dma_start3A_407, %add3A, %dma_start3A_408, %dma_start3A_409] : memref<200x4x32x8x128xf32, #tpu.memory_space<hbm>> -> memref<2x4x1x8x128xf32, #tpu.memory_space<hbm>>
      %dma_start3A_411 = arith.constant 0 : i32
      %dma_start3A_412 = arith.constant 0 : i32
      %dma_start3A_413 = arith.constant 0 : i32
      %dma_start3A_414 = tpu.memref_slice %arg6[%mul3A_400, %dma_start3A_411, %add3A, %dma_start3A_412, %dma_start3A_413] : memref<200x4x32x8x128xf32, #tpu.memory_space<hbm>> -> memref<2x4x1x8x128xf32, #tpu.memory_space<hbm>>
      %dma_start3A_415 = arith.constant 0 : i32
      %dma_start3A_416 = arith.constant 0 : i32
      %dma_start3A_417 = arith.constant 0 : i32
      %dma_start3A_418 = arith.constant 0 : i32
      %dma_start3A_419 = arith.constant 0 : i32
      %dma_start3A_420 = tpu.memref_slice %arg19[%dma_start3A_415, %dma_start3A_416, %dma_start3A_417, %dma_start3A_418, %dma_start3A_419] : memref<2x4x1x8x129xf32, #tpu.memory_space<vmem>> -> memref<2x4x1x8x128xf32, #tpu.memory_space<vmem>>
      tpu.enqueue_dma source(%dma_start3A_420 : memref<2x4x1x8x128xf32, #tpu.memory_space<vmem>>) target(%dma_start3A_414 : memref<2x4x1x8x128xf32, #tpu.memory_space<hbm>>) target_semaphore(%arg31 : memref<!tpu.dma_semaphore, #tpu.memory_space<semaphore_mem>>)
      %dma_start3A_421 = arith.constant 0 : i32
      %dma_start3A_422 = arith.constant 0 : i32
      %dma_start3A_423 = arith.constant 0 : i32
      %dma_start3A_424 = arith.constant 0 : i32
      %dma_start3A_425 = arith.constant 0 : i32
      %dma_start3A_426 = tpu.memref_slice %arg21[%dma_start3A_421, %dma_start3A_422, %dma_start3A_423, %dma_start3A_424, %dma_start3A_425] : memref<2x4x1x8x129xf32, #tpu.memory_space<vmem>> -> memref<2x4x1x8x128xf32, #tpu.memory_space<vmem>>
      %dma_start3A_427 = arith.constant 0 : i32
      %dma_start3A_428 = arith.constant 0 : i32
      %dma_start3A_429 = arith.constant 0 : i32
      %dma_start3A_430 = tpu.memref_slice %arg7[%mul3A_400, %dma_start3A_427, %add3A, %dma_start3A_428, %dma_start3A_429] : memref<200x4x32x8x128xf32, #tpu.memory_space<hbm>> -> memref<2x4x1x8x128xf32, #tpu.memory_space<hbm>>
      %dma_start3A_431 = arith.constant 0 : i32
      %dma_start3A_432 = arith.constant 0 : i32
      %dma_start3A_433 = arith.constant 0 : i32
      %dma_start3A_434 = tpu.memref_slice %arg7[%mul3A_400, %dma_start3A_431, %add3A, %dma_start3A_432, %dma_start3A_433] : memref<200x4x32x8x128xf32, #tpu.memory_space<hbm>> -> memref<2x4x1x8x128xf32, #tpu.memory_space<hbm>>
      %dma_start3A_435 = arith.constant 0 : i32
      %dma_start3A_436 = arith.constant 0 : i32
      %dma_start3A_437 = arith.constant 0 : i32
      %dma_start3A_438 = arith.constant 0 : i32
      %dma_start3A_439 = arith.constant 0 : i32
      %dma_start3A_440 = tpu.memref_slice %arg21[%dma_start3A_435, %dma_start3A_436, %dma_start3A_437, %dma_start3A_438, %dma_start3A_439] : memref<2x4x1x8x129xf32, #tpu.memory_space<vmem>> -> memref<2x4x1x8x128xf32, #tpu.memory_space<vmem>>
      tpu.enqueue_dma source(%dma_start3A_440 : memref<2x4x1x8x128xf32, #tpu.memory_space<vmem>>) target(%dma_start3A_434 : memref<2x4x1x8x128xf32, #tpu.memory_space<hbm>>) target_semaphore(%arg33 : memref<!tpu.dma_semaphore, #tpu.memory_space<semaphore_mem>>)
    }
    %scan3A_133 = arith.constant 50 : i32
    %dma_wait3A = arith.constant 0 : i32
    %dma_wait3A_134 = arith.constant 0 : i32
    %dma_wait3A_135 = arith.constant 0 : i32
    %dma_wait3A_136 = arith.constant 0 : i32
    %dma_wait3A_137 = arith.constant 0 : i32
    %dma_wait3A_138 = tpu.memref_slice %arg18[%dma_wait3A, %dma_wait3A_134, %dma_wait3A_135, %dma_wait3A_136, %dma_wait3A_137] : memref<2x4x1x8x129xf32, #tpu.memory_space<vmem>> -> memref<2x4x1x8x128xf32, #tpu.memory_space<vmem>>
    %dma_wait3A_139 = arith.constant 0 : i32
    %dma_wait3A_140 = arith.constant 0 : i32
    %dma_wait3A_141 = arith.constant 0 : i32
    %dma_wait3A_142 = arith.constant 0 : i32
    %dma_wait3A_143 = arith.constant 0 : i32
    %dma_wait3A_144 = tpu.memref_slice %arg6[%dma_wait3A_139, %dma_wait3A_140, %dma_wait3A_141, %dma_wait3A_142, %dma_wait3A_143] : memref<200x4x32x8x128xf32, #tpu.memory_space<hbm>> -> memref<2x4x1x8x128xf32, #tpu.memory_space<hbm>>
    %dma_wait3A_145 = arith.constant 0 : i32
    %dma_wait3A_146 = arith.constant 0 : i32
    %dma_wait3A_147 = arith.constant 0 : i32
    %dma_wait3A_148 = arith.constant 0 : i32
    %dma_wait3A_149 = arith.constant 0 : i32
    %dma_wait3A_150 = tpu.memref_slice %arg6[%dma_wait3A_145, %dma_wait3A_146, %dma_wait3A_147, %dma_wait3A_148, %dma_wait3A_149] : memref<200x4x32x8x128xf32, #tpu.memory_space<hbm>> -> memref<2x4x1x8x128xf32, #tpu.memory_space<hbm>>
    %dma_wait3A_151 = arith.constant 0 : i32
    %dma_wait3A_152 = arith.constant 0 : i32
    %dma_wait3A_153 = arith.constant 0 : i32
    %dma_wait3A_154 = arith.constant 0 : i32
    %dma_wait3A_155 = arith.constant 0 : i32
    %dma_wait3A_156 = tpu.memref_slice %arg18[%dma_wait3A_151, %dma_wait3A_152, %dma_wait3A_153, %dma_wait3A_154, %dma_wait3A_155] : memref<2x4x1x8x129xf32, #tpu.memory_space<vmem>> -> memref<2x4x1x8x128xf32, #tpu.memory_space<vmem>>
    tpu.wait_dma2 semaphore(%arg30 : memref<!tpu.dma_semaphore, #tpu.memory_space<semaphore_mem>>) src(%dma_wait3A_156 : memref<2x4x1x8x128xf32, #tpu.memory_space<vmem>>) dst(%dma_wait3A_150 : memref<2x4x1x8x128xf32, #tpu.memory_space<hbm>>)
    %dma_wait3A_157 = arith.constant 0 : i32
    %dma_wait3A_158 = arith.constant 0 : i32
    %dma_wait3A_159 = arith.constant 0 : i32
    %dma_wait3A_160 = arith.constant 0 : i32
    %dma_wait3A_161 = arith.constant 0 : i32
    %dma_wait3A_162 = tpu.memref_slice %arg20[%dma_wait3A_157, %dma_wait3A_158, %dma_wait3A_159, %dma_wait3A_160, %dma_wait3A_161] : memref<2x4x1x8x129xf32, #tpu.memory_space<vmem>> -> memref<2x4x1x8x128xf32, #tpu.memory_space<vmem>>
    %dma_wait3A_163 = arith.constant 0 : i32
    %dma_wait3A_164 = arith.constant 0 : i32
    %dma_wait3A_165 = arith.constant 0 : i32
    %dma_wait3A_166 = arith.constant 0 : i32
    %dma_wait3A_167 = arith.constant 0 : i32
    %dma_wait3A_168 = tpu.memref_slice %arg7[%dma_wait3A_163, %dma_wait3A_164, %dma_wait3A_165, %dma_wait3A_166, %dma_wait3A_167] : memref<200x4x32x8x128xf32, #tpu.memory_space<hbm>> -> memref<2x4x1x8x128xf32, #tpu.memory_space<hbm>>
    %dma_wait3A_169 = arith.constant 0 : i32
    %dma_wait3A_170 = arith.constant 0 : i32
    %dma_wait3A_171 = arith.constant 0 : i32
    %dma_wait3A_172 = arith.constant 0 : i32
    %dma_wait3A_173 = arith.constant 0 : i32
    %dma_wait3A_174 = tpu.memref_slice %arg7[%dma_wait3A_169, %dma_wait3A_170, %dma_wait3A_171, %dma_wait3A_172, %dma_wait3A_173] : memref<200x4x32x8x128xf32, #tpu.memory_space<hbm>> -> memref<2x4x1x8x128xf32, #tpu.memory_space<hbm>>
    %dma_wait3A_175 = arith.constant 0 : i32
    %dma_wait3A_176 = arith.constant 0 : i32
    %dma_wait3A_177 = arith.constant 0 : i32
    %dma_wait3A_178 = arith.constant 0 : i32
    %dma_wait3A_179 = arith.constant 0 : i32
    %dma_wait3A_180 = tpu.memref_slice %arg20[%dma_wait3A_175, %dma_wait3A_176, %dma_wait3A_177, %dma_wait3A_178, %dma_wait3A_179] : memref<2x4x1x8x129xf32, #tpu.memory_space<vmem>> -> memref<2x4x1x8x128xf32, #tpu.memory_space<vmem>>
    tpu.wait_dma2 semaphore(%arg32 : memref<!tpu.dma_semaphore, #tpu.memory_space<semaphore_mem>>) src(%dma_wait3A_180 : memref<2x4x1x8x128xf32, #tpu.memory_space<vmem>>) dst(%dma_wait3A_174 : memref<2x4x1x8x128xf32, #tpu.memory_space<hbm>>)
    %dma_wait3A_181 = arith.constant 0 : i32
    %dma_wait3A_182 = arith.constant 0 : i32
    %dma_wait3A_183 = arith.constant 0 : i32
    %dma_wait3A_184 = arith.constant 0 : i32
    %dma_wait3A_185 = arith.constant 0 : i32
    %dma_wait3A_186 = tpu.memref_slice %arg19[%dma_wait3A_181, %dma_wait3A_182, %dma_wait3A_183, %dma_wait3A_184, %dma_wait3A_185] : memref<2x4x1x8x129xf32, #tpu.memory_space<vmem>> -> memref<2x4x1x8x128xf32, #tpu.memory_space<vmem>>
    %dma_wait3A_187 = arith.constant 0 : i32
    %dma_wait3A_188 = arith.constant 0 : i32
    %dma_wait3A_189 = arith.constant 0 : i32
    %dma_wait3A_190 = arith.constant 0 : i32
    %dma_wait3A_191 = arith.constant 0 : i32
    %dma_wait3A_192 = tpu.memref_slice %arg6[%dma_wait3A_187, %dma_wait3A_188, %dma_wait3A_189, %dma_wait3A_190, %dma_wait3A_191] : memref<200x4x32x8x128xf32, #tpu.memory_space<hbm>> -> memref<2x4x1x8x128xf32, #tpu.memory_space<hbm>>
    %dma_wait3A_193 = arith.constant 0 : i32
    %dma_wait3A_194 = arith.constant 0 : i32
    %dma_wait3A_195 = arith.constant 0 : i32
    %dma_wait3A_196 = arith.constant 0 : i32
    %dma_wait3A_197 = arith.constant 0 : i32
    %dma_wait3A_198 = tpu.memref_slice %arg6[%dma_wait3A_193, %dma_wait3A_194, %dma_wait3A_195, %dma_wait3A_196, %dma_wait3A_197] : memref<200x4x32x8x128xf32, #tpu.memory_space<hbm>> -> memref<2x4x1x8x128xf32, #tpu.memory_space<hbm>>
    %dma_wait3A_199 = arith.constant 0 : i32
    %dma_wait3A_200 = arith.constant 0 : i32
    %dma_wait3A_201 = arith.constant 0 : i32
    %dma_wait3A_202 = arith.constant 0 : i32
    %dma_wait3A_203 = arith.constant 0 : i32
    %dma_wait3A_204 = tpu.memref_slice %arg19[%dma_wait3A_199, %dma_wait3A_200, %dma_wait3A_201, %dma_wait3A_202, %dma_wait3A_203] : memref<2x4x1x8x129xf32, #tpu.memory_space<vmem>> -> memref<2x4x1x8x128xf32, #tpu.memory_space<vmem>>
    tpu.wait_dma2 semaphore(%arg31 : memref<!tpu.dma_semaphore, #tpu.memory_space<semaphore_mem>>) src(%dma_wait3A_204 : memref<2x4x1x8x128xf32, #tpu.memory_space<vmem>>) dst(%dma_wait3A_198 : memref<2x4x1x8x128xf32, #tpu.memory_space<hbm>>)
    %dma_wait3A_205 = arith.constant 0 : i32
    %dma_wait3A_206 = arith.constant 0 : i32
    %dma_wait3A_207 = arith.constant 0 : i32
    %dma_wait3A_208 = arith.constant 0 : i32
    %dma_wait3A_209 = arith.constant 0 : i32
    %dma_wait3A_210 = tpu.memref_slice %arg21[%dma_wait3A_205, %dma_wait3A_206, %dma_wait3A_207, %dma_wait3A_208, %dma_wait3A_209] : memref<2x4x1x8x129xf32, #tpu.memory_space<vmem>> -> memref<2x4x1x8x128xf32, #tpu.memory_space<vmem>>
    %dma_wait3A_211 = arith.constant 0 : i32
    %dma_wait3A_212 = arith.constant 0 : i32
    %dma_wait3A_213 = arith.constant 0 : i32
    %dma_wait3A_214 = arith.constant 0 : i32
    %dma_wait3A_215 = arith.constant 0 : i32
    %dma_wait3A_216 = tpu.memref_slice %arg7[%dma_wait3A_211, %dma_wait3A_212, %dma_wait3A_213, %dma_wait3A_214, %dma_wait3A_215] : memref<200x4x32x8x128xf32, #tpu.memory_space<hbm>> -> memref<2x4x1x8x128xf32, #tpu.memory_space<hbm>>
    %dma_wait3A_217 = arith.constant 0 : i32
    %dma_wait3A_218 = arith.constant 0 : i32
    %dma_wait3A_219 = arith.constant 0 : i32
    %dma_wait3A_220 = arith.constant 0 : i32
    %dma_wait3A_221 = arith.constant 0 : i32
    %dma_wait3A_222 = tpu.memref_slice %arg7[%dma_wait3A_217, %dma_wait3A_218, %dma_wait3A_219, %dma_wait3A_220, %dma_wait3A_221] : memref<200x4x32x8x128xf32, #tpu.memory_space<hbm>> -> memref<2x4x1x8x128xf32, #tpu.memory_space<hbm>>
    %dma_wait3A_223 = arith.constant 0 : i32
    %dma_wait3A_224 = arith.constant 0 : i32
    %dma_wait3A_225 = arith.constant 0 : i32
    %dma_wait3A_226 = arith.constant 0 : i32
    %dma_wait3A_227 = arith.constant 0 : i32
    %dma_wait3A_228 = tpu.memref_slice %arg21[%dma_wait3A_223, %dma_wait3A_224, %dma_wait3A_225, %dma_wait3A_226, %dma_wait3A_227] : memref<2x4x1x8x129xf32, #tpu.memory_space<vmem>> -> memref<2x4x1x8x128xf32, #tpu.memory_space<vmem>>
    tpu.wait_dma2 semaphore(%arg33 : memref<!tpu.dma_semaphore, #tpu.memory_space<semaphore_mem>>) src(%dma_wait3A_228 : memref<2x4x1x8x128xf32, #tpu.memory_space<vmem>>) dst(%dma_wait3A_222 : memref<2x4x1x8x128xf32, #tpu.memory_space<hbm>>)
    return
  }
}

</mosaic_0001>

<sc_bundles>
// kernel: kernel.3.cloned.1.call-start
scs
__scs_entry_jumppad:
0x0: {  	(pc) =	sbr.rel $0x88, $3  }
0x1: {  	(tag) =	ssettag $0x0;
	lr =	simm.s32 $0x1  }
0x2: {  	[smem:$0x3F9B] =	sst lr;
	_ =	strace $0xD0000000  }
0x3: {  	_ = 	snop  }
0x4: {  	_ = 	snop  }
0x5: {  	_ = 	snop  }
0x6: {  	_ = 	snop  }
0x7: {  	_ = 	snop  }
__scs_overlays_trampoline_lowered:
0x8: {  	[smem:$0x3FAA] =	sst s0  }
0x9: {  	[smem:$0x3FAB] =	sst s1  }
0xa: {  	[smem:$0x3FAC] =	sst s2  }
0xb: {  	[smem:$0x3FAD] =	sst s3  }
0xc: {  	[smem:$0x3FAE] =	sst s4  }
0xd: {  	[smem:$0x3FAF] =	sst s5  }
0xe: {  	[smem:$0x3FB0] =	sst s6  }
0xf: {  	[smem:$0x3FB1] =	sst s7  }
0x10: {  	[smem:$0x3FB2] =	sst s8  }
0x11: {  	[smem:$0x3FB3] =	sst s9;
	s0 =	simm.s32 @!p0 $0x0  }
0x12: {  	s1 =	sld [smem:$0x3F99];
	s0 =	simm.s32 @p0 $0x1  }
0x13: {  	[smem:$0x3FB4] =	sst s0;
	s0 =	simm.s32 @!p1 $0x0  }
0x14: {  	s2 =	sld [smem:$0x3F98];
	s0 =	simm.s32 @p1 $0x1  }
0x15: {  	[smem:$0x3FB5] =	sst s0;
	s0 =	simm.s32 @!p2 $0x0  }
0x16: {  	s3 =	sld [smem:$0x3FDB];
	s0 =	simm.s32 @p2 $0x1  }
0x17: {  	s4 =	simm.s32 $0x1BF5;
	[smem:$0x3FB7] =	sst s0  }
0x18: {  	s0 =	sld [smem:$0x3F9A];
	_ =	swait.ge [sflag:s4], $0x0  }
0x19: {  	s7 =	sld [smem:$0x3F9B]  }
0x1a: {  	s8 =	sadd.s32 $0xFFFFE003, lr  }
0x1b: {  	s9 =	sadd.s32 $0xFFFFFEF7, lr;
	s5 =	simm.s32 $0xFFFFFFFF;
	p2 =	slt.u32 s8, $0xFFFFF086  }
0x1c: {  	p1 =	slt.u32 s9, $0xF7A;
	s5 =	simm.s32 @!p2 $0x0  }
0x1d: {  	s5 =	simm.s32 @p1 $0x1;
	p0 =	seq.s32 s7, s2  }
0x1e: {  	s7 =	smul.u32 @!p0 $0xF7A, s2;
	p2 =	seq.s32 @!p0 s5, $0x0  }
0x1f: {  	s9 =	smul.u32 $0xF7A, s1;
	s8 =	simm.s32 @!p0 $0x1BF5;
	p2 =	por !p2, p0  }
0x20: {  	[sflag:s8] =	ssyncset.s32 @!p0 $0xFFFFF086;
	s6 =	sadd.s32 @!p0 s3, s7;
	s7 =	simm.s32 @!p0 $0x108  }
0x21: {  	s3 =	sadd.s32 s3, s9;
	s6 =	sadd.s32 @!p0 $0x88, s6;
	s7 =	simm.s32 @p2 $0x1082  }
0x22: {  	[simem:s7], [sflag:s8] =	dma.local @!p0 [hbm:s6], $0xF7A  }
0x23: {  	s9 =	sor.u32 $0xD0000000, s2;
	s6 =	simm.s32 $0x108;
	_ =	swait.ge @!p0 [sflag:s8], $0x0  }
0x24: {  	s3 =	sadd.s32 $0x88, s3;
	s6 =	simm.s32 @!p1 $0x1082;
	[sflag:s4] =	ssyncset.s32 $0xFFFFF086  }
0x25: {  	[simem:s6], [sflag:s4] =	dma.local [hbm:s3], $0xF7A  }
0x26: {  	[smem:$0x3F9B] =	sst s1;
	(tag) =	ssettag s2;
	_ =	strace s9  }
0x27: {  	s1 =	sld [smem:$0x3FAB]  }
0x28: {  	s2 =	sld [smem:$0x3FAC]  }
0x29: {  	s4 =	sld [smem:$0x3FAE]  }
0x2a: {  	p0 =	seq.s32 s5, $0x0;
	s5 =	sld [smem:$0x3FAF]  }
0x2b: {  	s6 =	sld [smem:$0x3FB0]  }
0x2c: {  	s7 =	sld [smem:$0x3FB1]  }
0x2d: {  	s3 =	simm.s32 $0x108;
	s8 =	sld [smem:$0x3FB2]  }
0x2e: {  	s3 =	simm.s32 @!p0 $0x1082;
	s9 =	sld [smem:$0x3FB3]  }
0x2f: {  	lr =	sadd.s32 s0, s3;
	s0 =	sld [smem:$0x3FAA]  }
0x30: {  	s3 =	sld [smem:$0x3FAD]  }
0x31: {  	[smem:$0x3FB6] =	sst s10  }
0x32: {  	s10 =	sld [smem:$0x3FB4];
	_ =	sdelay $0x3  }
0x33: {  	p0 =	seq.s32 s10, $0x1;
	s10 =	sld [smem:$0x3FB6];
	_ =	sdelay $0x3  }
0x34: {  	[smem:$0x3FB6] =	sst s10  }
0x35: {  	s10 =	sld [smem:$0x3FB5];
	_ =	sdelay $0x3  }
0x36: {  	p1 =	seq.s32 s10, $0x1;
	s10 =	sld [smem:$0x3FB6];
	_ =	sdelay $0x3  }
0x37: {  	[smem:$0x3FB6] =	sst s10  }
0x38: {  	s10 =	sld [smem:$0x3FB7]  }
0x39: {  	_ = 	snop;
	(pc) =	sbr.ind lr, $3  }
0x3a: {  	_ = 	snop  }
0x3b: {  	_ = 	snop  }
0x3c: {  	p2 =	seq.s32 s10, $0x1;
	s10 =	sld [smem:$0x3FB6]  }
0x3d: {  	_ =	shalt  }
0x3e: {  	_ =	shalt  }
0x3f: {  	_ =	shalt  }
0x40: {  	_ =	shalt  }
0x41: {  	_ =	shalt  }
0x42: {  	_ =	shalt  }
0x43: {  	_ =	shalt  }
0x44: {  	_ =	shalt  }
0x45: {  	_ =	shalt  }
0x46: {  	_ =	shalt  }
0x47: {  	_ =	shalt  }
0x48: {  	_ =	shalt  }
0x49: {  	_ =	shalt  }
0x4a: {  	_ =	shalt  }
0x4b: {  	_ =	shalt  }
0x4c: {  	_ =	shalt  }
0x4d: {  	_ =	shalt  }
0x4e: {  	_ =	shalt  }
0x4f: {  	_ =	shalt  }
0x50: {  	_ =	shalt  }
0x51: {  	_ =	shalt  }
0x52: {  	_ =	shalt  }
0x53: {  	_ =	shalt  }
0x54: {  	_ =	shalt  }
0x55: {  	_ =	shalt  }
0x56: {  	_ =	shalt  }
0x57: {  	_ =	shalt  }
0x58: {  	_ =	shalt  }
0x59: {  	_ =	shalt  }
0x5a: {  	_ =	shalt  }
0x5b: {  	_ =	shalt  }
0x5c: {  	_ =	shalt  }
0x5d: {  	_ =	shalt  }
0x5e: {  	_ =	shalt  }
0x5f: {  	_ =	shalt  }
0x60: {  	_ =	shalt  }
0x61: {  	_ =	shalt  }
0x62: {  	_ =	shalt  }
0x63: {  	_ =	shalt  }
0x64: {  	_ =	shalt  }
0x65: {  	_ =	shalt  }
0x66: {  	_ =	shalt  }
0x67: {  	_ =	shalt  }
0x68: {  	_ =	shalt  }
0x69: {  	_ =	shalt  }
0x6a: {  	_ =	shalt  }
0x6b: {  	_ =	shalt  }
0x6c: {  	_ =	shalt  }
0x6d: {  	_ =	shalt  }
0x6e: {  	_ =	shalt  }
0x6f: {  	_ =	shalt  }
0x70: {  	_ =	shalt  }
0x71: {  	_ =	shalt  }
0x72: {  	_ =	shalt  }
0x73: {  	_ =	shalt  }
0x74: {  	_ =	shalt  }
0x75: {  	_ =	shalt  }
0x76: {  	_ =	shalt  }
0x77: {  	_ =	shalt  }
0x78: {  	_ =	shalt  }
0x79: {  	_ =	shalt  }
0x7a: {  	_ =	shalt  }
0x7b: {  	_ =	shalt  }
0x7c: {  	_ =	shalt  }
0x7d: {  	_ =	shalt  }
0x7e: {  	_ =	shalt  }
0x7f: {  	_ =	shalt  }
0x80: {  	_ =	shalt  }
0x81: {  	_ =	shalt  }
0x82: {  	_ =	shalt  }
0x83: {  	_ =	shalt  }
0x84: {  	_ =	shalt  }
0x85: {  	_ =	shalt  }
0x86: {  	_ =	shalt  }
0x87: {  	_ =	shalt  }
.Lfunc_end0:
.L_simem_size_0:
called_computation_lowered:
.L_overlay_start_0:
0x88: {  	s2 =	sld [smem:$0x3FD9]  }
0x89: {  	s3 =	sld [smem:$0x3FFE];
	_ =	sdelay $0x1  }
0x8a: {  	s1 =	srdreg.scid  }
0x8b: {  	s0 =	sand.u32 $0x1, s1  }
0x8c: {  	s14 =	sshll.u32 s0, $0xA;
	s2 =	sadd.s32 s3, s2  }
0x8d: {  	s2 =	sadd.s32 s2, s14  }
0x8e: {  	[smem:$0x3FC2] =	sst s2  }
0x8f: {  	_ = 	snop  }
0x90: {  	s2 =	sld [smem:$0x3FD0];
	_ =	sdelay $0x2  }
0x91: {  	s15 =	simm.s32 $0xA;
	s4 =	simm.s32 $0x10  }
0x92: {  	[smem:s4], [sflag:s15] =	dma.local [hbm:s2], $0x1  }
0x93: {  	_ =	swait.eq [sflag:s15], $0x1  }
0x94: {  	[sflag:s15] =	ssyncset.done $0x0  }
0x95: {  	s16 =	sld [smem:$0x10];
	[sflag:s15] =	ssyncadd.s32 $0xFFFFFFFF  }
0x96: {  	s17 =	sld [smem:$0x11];
	(tm) =	ssettm $0x1  }
0x97: {  	s18 =	sld [smem:$0x3FFB];
	_ =	sdelay $0x3  }
0x98: {  	_ =	strace s18  }
0x99: {  	s4 =	sld [smem:$0x3FFC];
	_ =	sdelay $0x3  }
0x9a: {  	_ =	strace s4  }
0x9b: {  	s4 =	sld [smem:$0x3FFD];
	_ =	sdelay $0x3  }
0x9c: {  	_ =	strace s4  }
0x9d: {  	_ =	strace $0x8FFFFFFF  }
0x9e: {  	s19 =	sld [smem:$0x3FDB];
	_ =	sdelay $0x1  }
0x9f: {  	s5 =	simm.s32 $_scs_section_size  }
0xa0: {  	s6 =	simm.s32 $_size__tile_overlayer_lowered;
	s7 =	simm.s32 $_tile_overlayer_lowered  }
0xa1: {  	s22 =	simm.s32 $0x1BFF;
	s21 =	sshll.u32 s7, $0x1;
	s4 =	sadd.s32 s5, s19  }
0xa2: {  	s8 =	simm.s32 $0x0;
	s20 =	sshll.u32 s6, $0x1;
	s6 =	sadd.s32 s21, s4  }
0xa3: {  	[timem:s8], [sflag:s22] =	dma.local [hbm:s6], s20  }
0xa4: {  	_ =	swait.ge [sflag:s22], s20  }
0xa5: {  	s5 =	ssub.s32 $0x0, s20;
	[sflag:s22] =	ssyncset.done $0x0  }
0xa6: {  	[sflag:s22] =	ssyncadd.s32 s5;
	_ =	sdelay $0x1  }
0xa7: {  	s23 =	simm.s32 $0x1B8B  }
0xa8: {  	_ =	swait.ge [sflag:s23], $0x1  }
0xa9: {  	[sflag:s23] =	ssyncset.done $0x0  }
0xaa: {  	s25 =	simm.s32 $0x1B8E;
	s24 =	sld [smem:$0x3FFE];
	[sflag:s23] =	ssyncadd.s32 $0xFFFFFFFF  }
0xab: {  	s26 =	simm.s32 $execute0_lowered;
	[smem:$0x3FD2] =	sst s25  }
0xac: {  	s6 =	sshll.u32 s26, $0x1;
	_ =	strace $0x80000046;
	[dreg:$0x1] =	wrdreg $0xFFFFFFFF  }
0xad: {  	s28 =	simm.s32 $_size_execute0_lowered;
	s4 =	sadd.s32 s4, s6;
	[dreg:$0x0] =	wrdreg $0x0  }
0xae: {  	s6 =	sshll.u32 s28, $0x1;
	[dreg:$0x2] =	wrdreg s4  }
0xaf: {  	[dreg:$0x3] =	wrdreg s6  }
0xb0: {  	[dreg:$0x4] =	wrdreg $0xC0  }
0xb1: {  	_ =	task [dreg:s8], $0x5FFFF  }
0xb2: {  	[dreg:$0x1] =	wrdreg $0xFFFFFFFF  }
0xb3: {  	[dreg:$0x0] =	wrdreg $0x60  }
0xb4: {  	[dreg:$0x2] =	wrdreg s24  }
0xb5: {  	[dreg:$0x3] =	wrdreg s16  }
0xb6: {  	[dreg:$0x4] =	wrdreg s17  }
0xb7: {  	[dreg:$0x5] =	wrdreg $0x9  }
0xb8: {  	_ =	task.clear_ibuf [dreg:s8], $0x6FFFF;
	_ =	strace $0x90000046  }
0xb9: {  	s29 =	simm.s32 $0x9;
	_ =	strace $0x80000048  }
0xba: {  	_ =	swait.ge [sflag:s29], $0x1  }
0xbb: {  	[sflag:s29] =	ssyncadd.s32 $0xFFFFFFFF  }
0xbc: {  	_ =	strace $0x90000048  }
0xbd: {  	_ =	sfence  }
0xbe: {  	s30 =	sld [smem:$0x0];
	_ =	sdelay $0x2  }
0xbf: {  	s31 =	sshll.u32 s1, $0xD;
	s1 =	sshrl.u32 s1, $0x2  }
0xc0: {  	s3 =	sand.u32 $0x4000, s31;
	s1 =	sadd.s32 s1, s30  }
0xc1: {  	s0 =	sor.u32 s3, s0;
	s1 =	sshll.u32 s1, $0x11  }
0xc2: {  	s0 =	sor.u32 s1, s0  }
0xc3: {  	s0 =	sadd.s32 $0x8F2B, s0  }
0xc4: {  	[sflag:s0] =	ssyncadd.remote.s32 $0x1  }
0xc5: {  	_ =	sfence.sel $0xFFFF  }
0xc6: {  	[dreg:$0x0] =	wrdreg $0xFFFFFFFF;
	(pc) =	sbr.abs _section_cstart, $3  }
0xc7: {  	[dreg:$0x1] =	wrdreg $0xFFFFFFFF  }
0xc8: {  	_ =	task.clear_ibuf [dreg:s8], $0x2FFFF;
	_ =	strace $0x9FFFFFFF  }
0xc9: {  	(tm) =	ssettm $0x7FFFFFFF  }
tec
execute0_lowered:
.L_overlay_start_1:
0x0: {  	(tag) =	ssettag $0x1  }
0x1: {  	s0 =	rddreg [dreg:$0x0]  }
0x2: {  	s2 =	rddreg [dreg:$0x1];
	s1 =	srdreg.scid  }
0x3: {  	s4 =	stileid.u32;
	s3 =	rddreg [dreg:$0x2];
	s11 =	simm.s32 $0x80  }
0x4: {  	s19 =	simm.s32 $0x11800;
	s28 =	simm.s32 $0x5;
	s29 =	simm.s32 $0x14800  }
0x5: {  	s30 =	simm.s32 $0x18C00;
	s31 =	simm.s32 $0x2;
	s15 =	simm.s32 $0x7  }
0x6: {  	s16 =	simm.s32 $0x16A00;
	s18 =	simm.s32 $0x1AE00;
	s20 =	simm.s32 $0x4  }
0x7: {  	s21 =	simm.s32 $0x8;
	s1 =	sand.u32 $0x1, s1;
	s5 =	sshll.u32 s4, $0x1  }
0x8: {  	s10 =	simm.s32 $0x0;
	s4 =	simm.s32 $0x0;
	s7 =	sor.u32 s1, s5  }
0x9: {  	s6 =	sadd.s32 $0x1200, s0;
	[smem:$0x7FF] =	sst s4;
	s5 =	sshll.u32 s7, $0x4  }
0xa: {  	s1 =	ssub.s32 $0x2, s1;
	_ =	strace $0x80000047;
	s8 =	sadd.s32 s5, s0  }
0xb: {  	s9 =	sshrl.u32 s1, $0x1;
	s5 =	sadd.s32 $0xF43600, s0;
	s25 =	sadd.s32 $0x7BE00, s8  }
0xc: {  	v0 =	vlaneseq.u32;
	s24 =	ssub.s32 s1, s9;
	s26 =	sadd.s32 $0x62E00, s8;
	[dreg:$0x4] =	wrdreg s25  }
0xd: {  	v0 =	vmul.u32 $0x88, v0;
	s9 =	sshll.u32 s7, $0x7;
	s0 =	smax.u32 s24, $0x1;
	[dreg:$0x5] =	wrdreg s26  }
0xe: {  	s1 =	simm.s32 $0x6;
	s24 =	simm.s32 $0xF800;
	[dreg:$0x6] =	wrdreg s0  }
0xf: {  	v1 =	vadd.s32 $0x880, v0;
	v2 =	vadd.s32 $0x1100, v0;
	v3 =	vadd.s32 $0x1980, v0;
	s25 =	simm.s32 $0x13800;
	s26 =	simm.s32 $0x1;
	s0 =	simm.s32 $0x3  }
.LBB2_1:
0x10: {  	[dreg:$0x7] =	wrdreg s10  }
0x11: {  	s7 =	rddreg [dreg:$0x4];
	s8 =	simm.s32 $0x1000;
	s22 =	simm.s32 $0xD  }
0x12: {  	[tilespmem:s4], [sflag:$0xD] =	stream.strided.gather [hbm4b:s7+s11], $0x6400, s8, s11, $0x38;
	[tilespmem:$0x1D000] =	vst v63  }
0x13: {  	_ =	swait.ge [sflag:s22], $0x6400  }
0x14: {  	[sflag:s22] =	ssyncset.done $0x0  }
0x15: {  	s12 =	simm.s32 $0x6400;
	s23 =	rddreg [dreg:$0x5];
	[sflag:s22] =	ssyncadd.s32 $0xFFFF9C00  }
0x16: {  	[tilespmem:s12], [sflag:$0xD] =	stream.strided.gather [hbm4b:s23+s11], $0x6400, s8, s11, $0x38;
	[tilespmem:$0x1D000] =	vst v63  }
0x17: {  	_ =	swait.ge [sflag:s22], $0x6400  }
0x18: {  	[sflag:s22] =	ssyncset.done $0x0  }
0x19: {  	s8 =	simm.s32 $0xC800;
	[sflag:s22] =	ssyncadd.s32 $0xFFFF9C00  }
0x1a: {  	[tilespmem:s8], [sflag:$0x1] =	stream.indirect.gather [hbm4b:s5+s11], $0x20, s4, s11, $0xb8;
	[tilespmem:$0x1D000] =	vst v63  }
0x1b: {  	s10 =	simm.s32 $0x10800  }
0x1c: {  	[tilespmem:s10], [sflag:$0x5] =	stream.indirect.gather [hbm4b:s6+s11], $0x20, s12, s11, $0xb8;
	[tilespmem:$0x1D000] =	vst v63  }
0x1d: {  	s12 =	simm.s32 $0xD800  }
0x1e: {  	[tilespmem:s12], [sflag:$0x2] =	stream.indirect.gather [hbm4b:s5+s11], $0x20, s11, s11, $0xb8;
	[tilespmem:$0x1D000] =	vst v63  }
0x1f: {  	s13 =	simm.s32 $0x6480  }
0x20: {  	[tilespmem:s19], [sflag:$0x6] =	stream.indirect.gather [hbm4b:s6+s11], $0x20, s13, s11, $0xb8;
	[tilespmem:$0x1D000] =	vst v63  }
0x21: {  	s14 =	simm.s32 $0x100;
	s17 =	simm.s32 $0xE800  }
0x22: {  	[tilespmem:s17], [sflag:$0x3] =	stream.indirect.gather [hbm4b:s5+s11], $0x20, s14, s11, $0xb8;
	[tilespmem:$0x1D000] =	vst v63  }
0x23: {  	s23 =	simm.s32 $0x12800;
	s22 =	simm.s32 $0x6500;
	s8 =	simm.s32 $0x0  }
0x24: {  	[tilespmem:s23], [sflag:$0x7] =	stream.indirect.gather [hbm4b:s6+s11], $0x20, s22, s11, $0xb8;
	[tilespmem:$0x1D000] =	vst v63  }
.LBB2_2:
0x25: {  	p1 =	seq.s32 s8, $0x0  }
0x26: {  	s7 =	simm.s32 @!p1 $0x9  }
0x27: {  	_ =	swait.ge @!p1 [sflag:s7], $0x2000  }
0x28: {  	[sflag:s7] =	ssyncset.done @!p1 $0x0  }
0x29: {  	[sflag:s7] =	ssyncadd.s32 @!p1 $0xFFFFE000;
	s7 =	simm.s32 @!p1 $0xB  }
0x2a: {  	_ =	swait.ge @!p1 [sflag:s7], $0x2000  }
0x2b: {  	s10 =	sshll.u32 s8, $0x9;
	[sflag:s7] =	ssyncset.done @!p1 $0x0  }
0x2c: {  	s22 =	sor.u32 $0x180, s10;
	[sflag:s7] =	ssyncadd.s32 @!p1 $0xFFFFE000  }
0x2d: {  	[tilespmem:s24], [sflag:$0x4] =	stream.indirect.gather [hbm4b:s5+s11], $0x20, s22, s11, $0xb8;
	[tilespmem:$0x1D000] =	vst v63  }
0x2e: {  	s23 =	sadd.s32 $0x6580, s10  }
0x2f: {  	[tilespmem:s25], [sflag:$0x8] =	stream.indirect.gather [hbm4b:s6+s11], $0x20, s23, s11, $0xb8;
	[tilespmem:$0x1D000] =	vst v63  }
0x30: {  	_ =	swait.ge [sflag:s26], $0x1000  }
0x31: {  	[sflag:s26] =	ssyncset.done $0x0  }
0x32: {  	[sflag:s26] =	ssyncadd.s32 $0xFFFFF000  }
0x33: {  	_ =	swait.ge [sflag:s28], $0x1000  }
0x34: {  	[sflag:s28] =	ssyncset.done $0x0  }
0x35: {  	s12 =	simm.s32 $0x0;
	s22 =	simm.s32 $0x10840;
	[sflag:s28] =	ssyncadd.s32 $0xFFFFF000  }
0x36: {  	s13 =	simm.s32 $0x1;
	v5 =	vmov s12;
	v4 =	vld [tilespmem:s22+$0x20]  }
0x37: {  	s14 =	simm.s32 $0x2;
	v7 =	vmov s13;
	v5 =	vand.u32 $0x7C, v5;
	s23 =	simm.s32 $0xC840;
	v6 =	vld [tilespmem:s22+$0x0]  }
0x38: {  	s17 =	simm.s32 $0x3;
	v9 =	vmov s14;
	v7 =	vand.u32 $0x7D, v7;
	v11 =	vadd.s32 v0, v5;
	v10 =	vld [tilespmem:s23+$0xFFFFFFC0]  }
0x39: {  	v12 =	vmov s17;
	v15 =	vand.u32 $0x7E, v9;
	v14 =	vadd.s32 v0, v7;
	v13 =	vld [tilespmem:s23+$0xFFFFFFE0]  }
0x3a: {  	v12 =	vand.u32 $0x7F, v12;
	v16 =	vadd.s32 v0, v15;
	v9 =	vld [tilespmem:s23+$0x0]  }
0x3b: {  	v18 =	vadd.s32 v0, v12;
	v17 =	vld [tilespmem:s23+$0x20]  }
0x3c: {  	v19 =	vld [tilespmem:s22+$0xFFFFFFC0]  }
0x3d: {  	v8 =	vld [tilespmem:s22+$0xFFFFFFE0];
	[tilespmem:v11+s29+$0x0] =	vst.idx.msk $0xffff, v10  }
0x3e: {  	[tilespmem:v14+s29+$0x0] =	vst.idx.msk $0xffff, v13  }
0x3f: {  	[tilespmem:v16+s29+$0x0] =	vst.idx.msk $0xffff, v9  }
0x40: {  	[tilespmem:v18+s29+$0x0] =	vst.idx.msk $0xffff, v17  }
0x41: {  	[tilespmem:v11+s30+$0x0] =	vst.idx.msk $0xffff, v19  }
0x42: {  	[tilespmem:v14+s30+$0x0] =	vst.idx.msk $0xffff, v8  }
0x43: {  	[tilespmem:v16+s30+$0x0] =	vst.idx.msk $0xffff, v6  }
0x44: {  	[tilespmem:v18+s30+$0x0] =	vst.idx.msk $0xffff, v4  }
0x45: {  	v13 =	vld [tilespmem:s23+$0x30]  }
0x46: {  	v14 =	vld [tilespmem:s23+$0xFFFFFFF0]  }
0x47: {  	v4 =	vadd.s32 v1, v5;
	v17 =	vld [tilespmem:s23+$0xFFFFFFD0]  }
0x48: {  	v5 =	vadd.s32 v1, v7;
	v16 =	vld [tilespmem:s23+$0x10]  }
0x49: {  	v6 =	vadd.s32 v1, v15;
	v9 =	vld [tilespmem:s22+$0xFFFFFFD0]  }
0x4a: {  	v7 =	vadd.s32 v1, v12;
	v10 =	vld [tilespmem:s22+$0xFFFFFFF0]  }
0x4b: {  	v8 =	vld [tilespmem:s22+$0x30]  }
0x4c: {  	v11 =	vld [tilespmem:s22+$0x10];
	[tilespmem:v4+s29+$0x0] =	vst.idx.msk $0xffff, v17  }
0x4d: {  	[tilespmem:v5+s29+$0x0] =	vst.idx.msk $0xffff, v14  }
0x4e: {  	[tilespmem:v6+s29+$0x0] =	vst.idx.msk $0xffff, v16  }
0x4f: {  	s12 =	simm.s32 $0x4;
	[tilespmem:v7+s29+$0x0] =	vst.idx.msk $0xffff, v13  }
.LBB2_3:
0x50: {  	p0 =	sne.s32 s12, $0x7C;
	[tilespmem:v4+s30+$0x0] =	vst.idx.msk $0xffff, v9;
	s23 =	sadd.s32 $0x80, s23;
	s22 =	sadd.s32 $0x80, s22  }
0x51: {  	s7 =	smov.u32 s12;
	s12 =	sadd.s32 $0x4, s12;
	[tilespmem:v5+s30+$0x0] =	vst.idx.msk $0xffff, v10  }
0x52: {  	[tilespmem:v6+s30+$0x0] =	vst.idx.msk $0xffff, v11  }
0x53: {  	[tilespmem:v7+s30+$0x0] =	vst.idx.msk $0xffff, v8  }
0x54: {  	v4 =	vld [tilespmem:s22+$0x20]  }
0x55: {  	v5 =	vmov s7;
	s13 =	sadd.s32 $0x1, s7;
	v6 =	vld [tilespmem:s22+$0x0]  }
0x56: {  	v5 =	vand.u32 $0x7C, v5;
	v7 =	vmov s13;
	s13 =	sadd.s32 $0x2, s7;
	v8 =	vld [tilespmem:s22+$0xFFFFFFE0]  }
0x57: {  	s7 =	sadd.s32 $0x3, s7;
	v11 =	vadd.s32 v0, v5;
	v9 =	vmov s13;
	v7 =	vand.u32 $0x7D, v7;
	v10 =	vld [tilespmem:s23+$0xFFFFFFC0]  }
0x58: {  	v12 =	vmov s7;
	v14 =	vadd.s32 v0, v7;
	v15 =	vand.u32 $0x7E, v9;
	v13 =	vld [tilespmem:s23+$0xFFFFFFE0]  }
0x59: {  	v12 =	vand.u32 $0x7F, v12;
	v16 =	vadd.s32 v0, v15;
	v9 =	vld [tilespmem:s23+$0x0]  }
0x5a: {  	v18 =	vadd.s32 v0, v12;
	v17 =	vld [tilespmem:s23+$0x20]  }
0x5b: {  	v19 =	vld [tilespmem:s22+$0xFFFFFFC0]  }
0x5c: {  	[tilespmem:v11+s29+$0x0] =	vst.idx.msk $0xffff, v10  }
0x5d: {  	[tilespmem:v14+s29+$0x0] =	vst.idx.msk $0xffff, v13  }
0x5e: {  	[tilespmem:v16+s29+$0x0] =	vst.idx.msk $0xffff, v9  }
0x5f: {  	[tilespmem:v18+s29+$0x0] =	vst.idx.msk $0xffff, v17  }
0x60: {  	[tilespmem:v11+s30+$0x0] =	vst.idx.msk $0xffff, v19  }
0x61: {  	[tilespmem:v14+s30+$0x0] =	vst.idx.msk $0xffff, v8  }
0x62: {  	[tilespmem:v16+s30+$0x0] =	vst.idx.msk $0xffff, v6  }
0x63: {  	[tilespmem:v18+s30+$0x0] =	vst.idx.msk $0xffff, v4  }
0x64: {  	v13 =	vld [tilespmem:s23+$0x30]  }
0x65: {  	v14 =	vld [tilespmem:s23+$0xFFFFFFF0]  }
0x66: {  	v4 =	vadd.s32 v1, v5;
	v16 =	vld [tilespmem:s23+$0x10]  }
0x67: {  	v5 =	vadd.s32 v1, v7;
	v17 =	vld [tilespmem:s23+$0xFFFFFFD0]  }
0x68: {  	v6 =	vadd.s32 v1, v15;
	v9 =	vld [tilespmem:s22+$0xFFFFFFD0]  }
0x69: {  	v7 =	vadd.s32 v1, v12;
	v10 =	vld [tilespmem:s22+$0xFFFFFFF0]  }
0x6a: {  	v8 =	vld [tilespmem:s22+$0x30]  }
.Ltmp0:
0x6b: {  	v11 =	vld [tilespmem:s22+$0x10];
	(pc) =	sbr.rel @p0 .LBB2_3-.Ltmp0, $4  }
0x6c: {  	[tilespmem:v4+s29+$0x0] =	vst.idx.msk $0xffff, v17  }
0x6d: {  	[tilespmem:v5+s29+$0x0] =	vst.idx.msk $0xffff, v14  }
0x6e: {  	[tilespmem:v6+s29+$0x0] =	vst.idx.msk $0xffff, v16  }
0x6f: {  	[tilespmem:v7+s29+$0x0] =	vst.idx.msk $0xffff, v13  }
0x70: {  	_ =	sdelay $0x3  }
0x71: {  	[tilespmem:v4+s30+$0x0] =	vst.idx.msk $0xffff, v9  }
0x72: {  	[tilespmem:v5+s30+$0x0] =	vst.idx.msk $0xffff, v10  }
0x73: {  	p0 =	seq.s32 s8, $0x31;
	[tilespmem:v6+s30+$0x0] =	vst.idx.msk $0xffff, v11  }
0x74: {  	s7 =	sadd.s32 @!p0 $0x200, s10;
	s12 =	simm.s32 @!p0 $0x80;
	s13 =	simm.s32 @!p0 $0xC800;
	[tilespmem:v7+s30+$0x0] =	vst.idx.msk $0xffff, v8  }
0x75: {  	[tilespmem:s13], [sflag:$0x1] =	stream.indirect.gather @!p0 [hbm4b:s5+s12], $0x20, s7, s12, $0xb8;
	[tilespmem:$0x1D000] =	vst v63  }
0x76: {  	s7 =	sadd.s32 @!p0 $0x6600, s10;
	s13 =	simm.s32 @!p0 $0x10800  }
0x77: {  	[tilespmem:s13], [sflag:$0x5] =	stream.indirect.gather @!p0 [hbm4b:s6+s12], $0x20, s7, s12, $0xb8;
	[tilespmem:$0x1D000] =	vst v63  }
0x78: {  	_ =	swait.ge [sflag:s31], $0x1000  }
0x79: {  	[sflag:s31] =	ssyncset.done $0x0  }
0x7a: {  	[sflag:s31] =	ssyncadd.s32 $0xFFFFF000  }
0x7b: {  	_ =	swait.ge [sflag:s1], $0x1000  }
0x7c: {  	[sflag:s1] =	ssyncset.done $0x0  }
0x7d: {  	s22 =	simm.s32 $0x11840;
	s12 =	simm.s32 $0x0;
	[sflag:s1] =	ssyncadd.s32 $0xFFFFF000  }
0x7e: {  	s13 =	simm.s32 $0x1;
	v5 =	vmov s12;
	v4 =	vld [tilespmem:s22+$0x20]  }
0x7f: {  	s23 =	simm.s32 $0xD840;
	s14 =	simm.s32 $0x2;
	v7 =	vmov s13;
	v5 =	vand.u32 $0x7C, v5;
	v6 =	vld [tilespmem:s22+$0x0]  }
0x80: {  	s17 =	simm.s32 $0x3;
	v9 =	vmov s14;
	v7 =	vand.u32 $0x7D, v7;
	v11 =	vadd.s32 v2, v5;
	v10 =	vld [tilespmem:s23+$0xFFFFFFC0]  }
0x81: {  	v12 =	vmov s17;
	v15 =	vand.u32 $0x7E, v9;
	v14 =	vadd.s32 v2, v7;
	v13 =	vld [tilespmem:s23+$0xFFFFFFE0]  }
0x82: {  	v12 =	vand.u32 $0x7F, v12;
	v16 =	vadd.s32 v2, v15;
	v9 =	vld [tilespmem:s23+$0x0]  }
0x83: {  	v18 =	vadd.s32 v2, v12;
	v17 =	vld [tilespmem:s23+$0x20]  }
0x84: {  	v19 =	vld [tilespmem:s22+$0xFFFFFFC0]  }
0x85: {  	v8 =	vld [tilespmem:s22+$0xFFFFFFE0];
	[tilespmem:v11+s29+$0x0] =	vst.idx.msk $0xffff, v10  }
0x86: {  	[tilespmem:v14+s29+$0x0] =	vst.idx.msk $0xffff, v13  }
0x87: {  	[tilespmem:v16+s29+$0x0] =	vst.idx.msk $0xffff, v9  }
0x88: {  	[tilespmem:v18+s29+$0x0] =	vst.idx.msk $0xffff, v17  }
0x89: {  	[tilespmem:v11+s30+$0x0] =	vst.idx.msk $0xffff, v19  }
0x8a: {  	[tilespmem:v14+s30+$0x0] =	vst.idx.msk $0xffff, v8  }
0x8b: {  	[tilespmem:v16+s30+$0x0] =	vst.idx.msk $0xffff, v6  }
0x8c: {  	[tilespmem:v18+s30+$0x0] =	vst.idx.msk $0xffff, v4  }
0x8d: {  	v13 =	vld [tilespmem:s23+$0x30]  }
0x8e: {  	v14 =	vld [tilespmem:s23+$0xFFFFFFF0]  }
0x8f: {  	v5 =	vadd.s32 v3, v5;
	v17 =	vld [tilespmem:s23+$0xFFFFFFD0]  }
0x90: {  	v6 =	vadd.s32 v3, v7;
	v16 =	vld [tilespmem:s23+$0x10]  }
0x91: {  	v4 =	vadd.s32 v3, v15;
	v9 =	vld [tilespmem:s22+$0xFFFFFFD0]  }
0x92: {  	v7 =	vadd.s32 v3, v12;
	v10 =	vld [tilespmem:s22+$0xFFFFFFF0]  }
0x93: {  	v8 =	vld [tilespmem:s22+$0x30]  }
0x94: {  	v11 =	vld [tilespmem:s22+$0x10];
	[tilespmem:v5+s29+$0x0] =	vst.idx.msk $0xffff, v17  }
0x95: {  	[tilespmem:v6+s29+$0x0] =	vst.idx.msk $0xffff, v14  }
0x96: {  	[tilespmem:v4+s29+$0x0] =	vst.idx.msk $0xffff, v16  }
0x97: {  	s12 =	simm.s32 $0x4;
	[tilespmem:v7+s29+$0x0] =	vst.idx.msk $0xffff, v13  }
.LBB2_5:
0x98: {  	p2 =	sne.s32 s12, $0x7C;
	[tilespmem:v5+s30+$0x0] =	vst.idx.msk $0xffff, v9;
	s23 =	sadd.s32 $0x80, s23;
	s22 =	sadd.s32 $0x80, s22  }
0x99: {  	s7 =	smov.u32 s12;
	s12 =	sadd.s32 $0x4, s12;
	[tilespmem:v6+s30+$0x0] =	vst.idx.msk $0xffff, v10  }
0x9a: {  	[tilespmem:v4+s30+$0x0] =	vst.idx.msk $0xffff, v11  }
0x9b: {  	[tilespmem:v7+s30+$0x0] =	vst.idx.msk $0xffff, v8  }
0x9c: {  	v4 =	vld [tilespmem:s22+$0x20]  }
0x9d: {  	v5 =	vmov s7;
	s13 =	sadd.s32 $0x1, s7;
	v6 =	vld [tilespmem:s22+$0x0]  }
0x9e: {  	v5 =	vand.u32 $0x7C, v5;
	v7 =	vmov s13;
	s13 =	sadd.s32 $0x2, s7;
	v8 =	vld [tilespmem:s22+$0xFFFFFFE0]  }
0x9f: {  	s7 =	sadd.s32 $0x3, s7;
	v11 =	vadd.s32 v2, v5;
	v9 =	vmov s13;
	v7 =	vand.u32 $0x7D, v7;
	v10 =	vld [tilespmem:s23+$0xFFFFFFC0]  }
0xa0: {  	v12 =	vmov s7;
	v14 =	vadd.s32 v2, v7;
	v15 =	vand.u32 $0x7E, v9;
	v13 =	vld [tilespmem:s23+$0xFFFFFFE0]  }
0xa1: {  	v12 =	vand.u32 $0x7F, v12;
	v16 =	vadd.s32 v2, v15;
	v9 =	vld [tilespmem:s23+$0x0]  }
0xa2: {  	v18 =	vadd.s32 v2, v12;
	v17 =	vld [tilespmem:s23+$0x20]  }
0xa3: {  	v19 =	vld [tilespmem:s22+$0xFFFFFFC0]  }
0xa4: {  	[tilespmem:v11+s29+$0x0] =	vst.idx.msk $0xffff, v10  }
0xa5: {  	[tilespmem:v14+s29+$0x0] =	vst.idx.msk $0xffff, v13  }
0xa6: {  	[tilespmem:v16+s29+$0x0] =	vst.idx.msk $0xffff, v9  }
0xa7: {  	[tilespmem:v18+s29+$0x0] =	vst.idx.msk $0xffff, v17  }
0xa8: {  	[tilespmem:v11+s30+$0x0] =	vst.idx.msk $0xffff, v19  }
0xa9: {  	[tilespmem:v14+s30+$0x0] =	vst.idx.msk $0xffff, v8  }
0xaa: {  	[tilespmem:v16+s30+$0x0] =	vst.idx.msk $0xffff, v6  }
0xab: {  	[tilespmem:v18+s30+$0x0] =	vst.idx.msk $0xffff, v4  }
0xac: {  	v13 =	vld [tilespmem:s23+$0x30]  }
0xad: {  	v14 =	vld [tilespmem:s23+$0xFFFFFFF0]  }
0xae: {  	v5 =	vadd.s32 v3, v5;
	v16 =	vld [tilespmem:s23+$0x10]  }
0xaf: {  	v6 =	vadd.s32 v3, v7;
	v17 =	vld [tilespmem:s23+$0xFFFFFFD0]  }
0xb0: {  	v4 =	vadd.s32 v3, v15;
	v9 =	vld [tilespmem:s22+$0xFFFFFFD0]  }
0xb1: {  	v7 =	vadd.s32 v3, v12;
	v10 =	vld [tilespmem:s22+$0xFFFFFFF0]  }
0xb2: {  	v8 =	vld [tilespmem:s22+$0x30]  }
.Ltmp1:
0xb3: {  	v11 =	vld [tilespmem:s22+$0x10];
	(pc) =	sbr.rel @p2 .LBB2_5-.Ltmp1, $4  }
0xb4: {  	[tilespmem:v5+s29+$0x0] =	vst.idx.msk $0xffff, v17  }
0xb5: {  	[tilespmem:v6+s29+$0x0] =	vst.idx.msk $0xffff, v14  }
0xb6: {  	[tilespmem:v4+s29+$0x0] =	vst.idx.msk $0xffff, v16  }
0xb7: {  	[tilespmem:v7+s29+$0x0] =	vst.idx.msk $0xffff, v13  }
0xb8: {  	_ =	sdelay $0x3  }
0xb9: {  	[tilespmem:v5+s30+$0x0] =	vst.idx.msk $0xffff, v9  }
0xba: {  	s7 =	sshll.u32 s8, $0x10;
	[tilespmem:v6+s30+$0x0] =	vst.idx.msk $0xffff, v10  }
0xbb: {  	s22 =	sor.u32 s9, s7;
	[tilespmem:v4+s30+$0x0] =	vst.idx.msk $0xffff, v11  }
0xbc: {  	s12 =	simm.s32 $0x14800;
	s14 =	sadd.s32 s2, s22;
	[tilespmem:v7+s30+$0x0] =	vst.idx.msk $0xffff, v8  }
0xbd: {  	[hbm4b:s14+s4] =	stream.linear.scatter [tilespmem:s12], [sflag:$0x9], $0x80, $0x38;
	[tilespmem:$0x1D000] =	vst v63  }
0xbe: {  	s13 =	simm.s32 $0x14888;
	s12 =	sadd.s32 $0x10, s14  }
0xbf: {  	[hbm4b:s12+s4] =	stream.linear.scatter [tilespmem:s13], [sflag:$0x9], $0x80, $0x38;
	[tilespmem:$0x1D000] =	vst v63  }
0xc0: {  	s17 =	simm.s32 $0x14910;
	s23 =	sadd.s32 $0x20, s14  }
0xc1: {  	[hbm4b:s23+s4] =	stream.linear.scatter [tilespmem:s17], [sflag:$0x9], $0x80, $0x38;
	[tilespmem:$0x1D000] =	vst v63  }
0xc2: {  	s12 =	simm.s32 $0x14998;
	s13 =	sadd.s32 $0x30, s14  }
0xc3: {  	[hbm4b:s13+s4] =	stream.linear.scatter [tilespmem:s12], [sflag:$0x9], $0x80, $0x38;
	[tilespmem:$0x1D000] =	vst v63  }
0xc4: {  	s17 =	simm.s32 $0x14A20;
	s23 =	sadd.s32 $0x40, s14  }
0xc5: {  	[hbm4b:s23+s4] =	stream.linear.scatter [tilespmem:s17], [sflag:$0x9], $0x80, $0x38;
	[tilespmem:$0x1D000] =	vst v63  }
0xc6: {  	s7 =	sadd.s32 $0x70, s14;
	s12 =	simm.s32 $0x14AA8;
	s13 =	sadd.s32 $0x50, s14  }
0xc7: {  	[hbm4b:s13+s4] =	stream.linear.scatter [tilespmem:s12], [sflag:$0x9], $0x80, $0x38;
	[tilespmem:$0x1D000] =	vst v63  }
0xc8: {  	s17 =	simm.s32 $0x14B30;
	s23 =	sadd.s32 $0x60, s14;
	s14 =	sadd.s32 $0x1000, s14  }
0xc9: {  	[hbm4b:s23+s4] =	stream.linear.scatter [tilespmem:s17], [sflag:$0x9], $0x80, $0x38;
	[tilespmem:$0x1D000] =	vst v63  }
0xca: {  	s12 =	simm.s32 $0x440;
	s13 =	simm.s32 $0x14BB8;
	s23 =	simm.s32 $0x2200  }
.LBB2_7:
0xcb: {  	[hbm4b:s7+s4] =	stream.linear.scatter [tilespmem:s13], [sflag:$0x9], $0x80, $0x38;
	[tilespmem:$0x1D000] =	vst v63  }
0xcc: {  	s7 =	smov.u32 s12;
	s12 =	smov.u32 s23  }
0xcd: {  	s17 =	sadd.s32 $0x1100, s23;
	s12 =	sshra.s32 s12, $0x2;
	s13 =	sadd.s32 $0x14800, s7  }
0xce: {  	[hbm4b:s14+s4] =	stream.linear.scatter [tilespmem:s13], [sflag:$0x9], $0x80, $0x38;
	[tilespmem:$0x1D000] =	vst v63  }
0xcf: {  	p2 =	sne.s32 s23, $0x7700;
	s23 =	sadd.s32 $0x10, s14;
	s13 =	sadd.s32 $0x14888, s7  }
0xd0: {  	[hbm4b:s23+s4] =	stream.linear.scatter [tilespmem:s13], [sflag:$0x9], $0x80, $0x38;
	[tilespmem:$0x1D000] =	vst v63  }
0xd1: {  	s13 =	sadd.s32 $0x14910, s7;
	s23 =	sadd.s32 $0x20, s14  }
0xd2: {  	[hbm4b:s23+s4] =	stream.linear.scatter [tilespmem:s13], [sflag:$0x9], $0x80, $0x38;
	[tilespmem:$0x1D000] =	vst v63  }
0xd3: {  	s13 =	sadd.s32 $0x14998, s7;
	s23 =	sadd.s32 $0x30, s14  }
0xd4: {  	[hbm4b:s23+s4] =	stream.linear.scatter [tilespmem:s13], [sflag:$0x9], $0x80, $0x38;
	[tilespmem:$0x1D000] =	vst v63  }
0xd5: {  	s13 =	sadd.s32 $0x14A20, s7;
	s23 =	sadd.s32 $0x40, s14  }
0xd6: {  	[hbm4b:s23+s4] =	stream.linear.scatter [tilespmem:s13], [sflag:$0x9], $0x80, $0x38;
	[tilespmem:$0x1D000] =	vst v63  }
0xd7: {  	s13 =	sadd.s32 $0x14AA8, s7;
	s23 =	sadd.s32 $0x50, s14  }
0xd8: {  	[hbm4b:s23+s4] =	stream.linear.scatter [tilespmem:s13], [sflag:$0x9], $0x80, $0x38;
	[tilespmem:$0x1D000] =	vst v63  }
.Ltmp2:
0xd9: {  	_ = 	snop;
	(pc) =	sbr.rel @p2 .LBB2_7-.Ltmp2, $4  }
0xda: {  	s13 =	sadd.s32 $0x14B30, s7;
	s23 =	sadd.s32 $0x60, s14  }
0xdb: {  	[hbm4b:s23+s4] =	stream.linear.scatter [tilespmem:s13], [sflag:$0x9], $0x80, $0x38;
	[tilespmem:$0x1D000] =	vst v63  }
0xdc: {  	s13 =	sadd.s32 $0x14BB8, s7  }
0xdd: {  	s7 =	sadd.s32 $0x70, s14;
	s14 =	sadd.s32 $0x1000, s14;
	s23 =	smov.u32 s17  }
0xde: {  	[hbm4b:s7+s4] =	stream.linear.scatter [tilespmem:s13], [sflag:$0x9], $0x80, $0x38;
	[tilespmem:$0x1D000] =	vst v63  }
0xdf: {  	s13 =	sadd.s32 $0x14800, s12  }
0xe0: {  	[hbm4b:s14+s4] =	stream.linear.scatter [tilespmem:s13], [sflag:$0x9], $0x80, $0x38;
	[tilespmem:$0x1D000] =	vst v63  }
0xe1: {  	s17 =	sadd.s32 $0x14888, s12;
	s23 =	sadd.s32 $0x10, s14  }
0xe2: {  	[hbm4b:s23+s4] =	stream.linear.scatter [tilespmem:s17], [sflag:$0x9], $0x80, $0x38;
	[tilespmem:$0x1D000] =	vst v63  }
0xe3: {  	s17 =	sadd.s32 $0x14910, s12;
	s23 =	sadd.s32 $0x20, s14  }
0xe4: {  	[hbm4b:s23+s4] =	stream.linear.scatter [tilespmem:s17], [sflag:$0x9], $0x80, $0x38;
	[tilespmem:$0x1D000] =	vst v63  }
0xe5: {  	s17 =	sadd.s32 $0x14998, s12;
	s23 =	sadd.s32 $0x30, s14  }
0xe6: {  	[hbm4b:s23+s4] =	stream.linear.scatter [tilespmem:s17], [sflag:$0x9], $0x80, $0x38;
	[tilespmem:$0x1D000] =	vst v63  }
0xe7: {  	s17 =	sadd.s32 $0x14A20, s12;
	s23 =	sadd.s32 $0x40, s14  }
0xe8: {  	[hbm4b:s23+s4] =	stream.linear.scatter [tilespmem:s17], [sflag:$0x9], $0x80, $0x38;
	[tilespmem:$0x1D000] =	vst v63  }
0xe9: {  	s17 =	sadd.s32 $0x14AA8, s12;
	s23 =	sadd.s32 $0x50, s14  }
0xea: {  	[hbm4b:s23+s4] =	stream.linear.scatter [tilespmem:s17], [sflag:$0x9], $0x80, $0x38;
	[tilespmem:$0x1D000] =	vst v63  }
0xeb: {  	s17 =	sadd.s32 $0x14B30, s12;
	s23 =	sadd.s32 $0x60, s14  }
0xec: {  	[hbm4b:s23+s4] =	stream.linear.scatter [tilespmem:s17], [sflag:$0x9], $0x80, $0x38;
	[tilespmem:$0x1D000] =	vst v63  }
0xed: {  	s13 =	sadd.s32 $0x14BB8, s12;
	s17 =	sadd.s32 $0x70, s14  }
0xee: {  	[hbm4b:s17+s4] =	stream.linear.scatter [tilespmem:s13], [sflag:$0x9], $0x80, $0x38;
	[tilespmem:$0x1D000] =	vst v63  }
0xef: {  	s14 =	sadd.s32 s3, s22;
	s23 =	simm.s32 $0x18C00  }
0xf0: {  	[hbm4b:s14+s4] =	stream.linear.scatter [tilespmem:s23], [sflag:$0xB], $0x80, $0x38;
	[tilespmem:$0x1D000] =	vst v63  }
0xf1: {  	s12 =	simm.s32 $0x18C88;
	s13 =	sadd.s32 $0x10, s14  }
0xf2: {  	[hbm4b:s13+s4] =	stream.linear.scatter [tilespmem:s12], [sflag:$0xB], $0x80, $0x38;
	[tilespmem:$0x1D000] =	vst v63  }
0xf3: {  	s17 =	simm.s32 $0x18D10;
	s23 =	sadd.s32 $0x20, s14  }
0xf4: {  	[hbm4b:s23+s4] =	stream.linear.scatter [tilespmem:s17], [sflag:$0xB], $0x80, $0x38;
	[tilespmem:$0x1D000] =	vst v63  }
0xf5: {  	s12 =	simm.s32 $0x18D98;
	s13 =	sadd.s32 $0x30, s14  }
0xf6: {  	[hbm4b:s13+s4] =	stream.linear.scatter [tilespmem:s12], [sflag:$0xB], $0x80, $0x38;
	[tilespmem:$0x1D000] =	vst v63  }
0xf7: {  	s17 =	simm.s32 $0x18E20;
	s23 =	sadd.s32 $0x40, s14  }
0xf8: {  	[hbm4b:s23+s4] =	stream.linear.scatter [tilespmem:s17], [sflag:$0xB], $0x80, $0x38;
	[tilespmem:$0x1D000] =	vst v63  }
0xf9: {  	s7 =	sadd.s32 $0x70, s14;
	s12 =	simm.s32 $0x18EA8;
	s13 =	sadd.s32 $0x50, s14  }
0xfa: {  	[hbm4b:s13+s4] =	stream.linear.scatter [tilespmem:s12], [sflag:$0xB], $0x80, $0x38;
	[tilespmem:$0x1D000] =	vst v63  }
0xfb: {  	s17 =	simm.s32 $0x18F30;
	s23 =	sadd.s32 $0x60, s14;
	s14 =	sadd.s32 $0x1000, s14  }
0xfc: {  	[hbm4b:s23+s4] =	stream.linear.scatter [tilespmem:s17], [sflag:$0xB], $0x80, $0x38;
	[tilespmem:$0x1D000] =	vst v63  }
0xfd: {  	s12 =	simm.s32 $0x440;
	s13 =	simm.s32 $0x18FB8;
	s23 =	simm.s32 $0x2200  }
.LBB2_9:
0xfe: {  	[hbm4b:s7+s4] =	stream.linear.scatter [tilespmem:s13], [sflag:$0xB], $0x80, $0x38;
	[tilespmem:$0x1D000] =	vst v63  }
0xff: {  	s7 =	smov.u32 s12;
	s12 =	smov.u32 s23  }
0x100: {  	s17 =	sadd.s32 $0x1100, s23;
	s12 =	sshra.s32 s12, $0x2;
	s13 =	sadd.s32 $0x18C00, s7  }
0x101: {  	[hbm4b:s14+s4] =	stream.linear.scatter [tilespmem:s13], [sflag:$0xB], $0x80, $0x38;
	[tilespmem:$0x1D000] =	vst v63  }
0x102: {  	p2 =	sne.s32 s23, $0x7700;
	s23 =	sadd.s32 $0x10, s14;
	s13 =	sadd.s32 $0x18C88, s7  }
0x103: {  	[hbm4b:s23+s4] =	stream.linear.scatter [tilespmem:s13], [sflag:$0xB], $0x80, $0x38;
	[tilespmem:$0x1D000] =	vst v63  }
0x104: {  	s13 =	sadd.s32 $0x18D10, s7;
	s23 =	sadd.s32 $0x20, s14  }
0x105: {  	[hbm4b:s23+s4] =	stream.linear.scatter [tilespmem:s13], [sflag:$0xB], $0x80, $0x38;
	[tilespmem:$0x1D000] =	vst v63  }
0x106: {  	s13 =	sadd.s32 $0x18D98, s7;
	s23 =	sadd.s32 $0x30, s14  }
0x107: {  	[hbm4b:s23+s4] =	stream.linear.scatter [tilespmem:s13], [sflag:$0xB], $0x80, $0x38;
	[tilespmem:$0x1D000] =	vst v63  }
0x108: {  	s13 =	sadd.s32 $0x18E20, s7;
	s23 =	sadd.s32 $0x40, s14  }
0x109: {  	[hbm4b:s23+s4] =	stream.linear.scatter [tilespmem:s13], [sflag:$0xB], $0x80, $0x38;
	[tilespmem:$0x1D000] =	vst v63  }
0x10a: {  	s13 =	sadd.s32 $0x18EA8, s7;
	s23 =	sadd.s32 $0x50, s14  }
0x10b: {  	[hbm4b:s23+s4] =	stream.linear.scatter [tilespmem:s13], [sflag:$0xB], $0x80, $0x38;
	[tilespmem:$0x1D000] =	vst v63  }
.Ltmp3:
0x10c: {  	_ = 	snop;
	(pc) =	sbr.rel @p2 .LBB2_9-.Ltmp3, $4  }
0x10d: {  	s13 =	sadd.s32 $0x18F30, s7;
	s23 =	sadd.s32 $0x60, s14  }
0x10e: {  	[hbm4b:s23+s4] =	stream.linear.scatter [tilespmem:s13], [sflag:$0xB], $0x80, $0x38;
	[tilespmem:$0x1D000] =	vst v63  }
0x10f: {  	s13 =	sadd.s32 $0x18FB8, s7  }
0x110: {  	s7 =	sadd.s32 $0x70, s14;
	s14 =	sadd.s32 $0x1000, s14;
	s23 =	smov.u32 s17  }
0x111: {  	[hbm4b:s7+s4] =	stream.linear.scatter [tilespmem:s13], [sflag:$0xB], $0x80, $0x38;
	[tilespmem:$0x1D000] =	vst v63  }
0x112: {  	s13 =	sadd.s32 $0x18C00, s12  }
0x113: {  	[hbm4b:s14+s4] =	stream.linear.scatter [tilespmem:s13], [sflag:$0xB], $0x80, $0x38;
	[tilespmem:$0x1D000] =	vst v63  }
0x114: {  	s17 =	sadd.s32 $0x18C88, s12;
	s23 =	sadd.s32 $0x10, s14  }
0x115: {  	[hbm4b:s23+s4] =	stream.linear.scatter [tilespmem:s17], [sflag:$0xB], $0x80, $0x38;
	[tilespmem:$0x1D000] =	vst v63  }
0x116: {  	s17 =	sadd.s32 $0x18D10, s12;
	s23 =	sadd.s32 $0x20, s14  }
0x117: {  	[hbm4b:s23+s4] =	stream.linear.scatter [tilespmem:s17], [sflag:$0xB], $0x80, $0x38;
	[tilespmem:$0x1D000] =	vst v63  }
0x118: {  	s17 =	sadd.s32 $0x18D98, s12;
	s23 =	sadd.s32 $0x30, s14  }
0x119: {  	[hbm4b:s23+s4] =	stream.linear.scatter [tilespmem:s17], [sflag:$0xB], $0x80, $0x38;
	[tilespmem:$0x1D000] =	vst v63  }
0x11a: {  	s17 =	sadd.s32 $0x18E20, s12;
	s23 =	sadd.s32 $0x40, s14  }
0x11b: {  	[hbm4b:s23+s4] =	stream.linear.scatter [tilespmem:s17], [sflag:$0xB], $0x80, $0x38;
	[tilespmem:$0x1D000] =	vst v63  }
0x11c: {  	s17 =	sadd.s32 $0x18EA8, s12;
	s23 =	sadd.s32 $0x50, s14  }
0x11d: {  	[hbm4b:s23+s4] =	stream.linear.scatter [tilespmem:s17], [sflag:$0xB], $0x80, $0x38;
	[tilespmem:$0x1D000] =	vst v63  }
0x11e: {  	s17 =	sadd.s32 $0x18F30, s12;
	s23 =	sadd.s32 $0x60, s14  }
0x11f: {  	[hbm4b:s23+s4] =	stream.linear.scatter [tilespmem:s17], [sflag:$0xB], $0x80, $0x38;
	[tilespmem:$0x1D000] =	vst v63  }
0x120: {  	s7 =	simm.s32 @!p1 $0xA;
	s17 =	sadd.s32 $0x18FB8, s12;
	s23 =	sadd.s32 $0x70, s14  }
0x121: {  	[hbm4b:s23+s4] =	stream.linear.scatter [tilespmem:s17], [sflag:$0xB], $0x80, $0x38;
	[tilespmem:$0x1D000] =	vst v63  }
0x122: {  	_ =	swait.ge @!p1 [sflag:s7], $0x2000  }
0x123: {  	[sflag:s7] =	ssyncset.done @!p1 $0x0  }
0x124: {  	[sflag:s7] =	ssyncadd.s32 @!p1 $0xFFFFE000;
	s7 =	simm.s32 @!p1 $0xC  }
0x125: {  	p2 =	seq.s32 @!p1 s8, $0x31;
	_ =	swait.ge @!p1 [sflag:s7], $0x2000  }
0x126: {  	p2 =	por p1, !p2;
	[sflag:s7] =	ssyncset.done @!p1 $0x0  }
0x127: {  	s12 =	simm.s32 @p2 $0xD800;
	[sflag:s7] =	ssyncadd.s32 @!p1 $0xFFFFE000;
	s7 =	sadd.s32 @p2 $0x280, s10  }
0x128: {  	[tilespmem:s12], [sflag:$0x2] =	stream.indirect.gather @p2 [hbm4b:s5+s11], $0x20, s7, s11, $0xb8;
	[tilespmem:$0x1D000] =	vst v63  }
0x129: {  	s7 =	sadd.s32 @p2 $0x6680, s10  }
0x12a: {  	[tilespmem:s19], [sflag:$0x6] =	stream.indirect.gather @p2 [hbm4b:s6+s11], $0x20, s7, s11, $0xb8;
	[tilespmem:$0x1D000] =	vst v63  }
0x12b: {  	_ =	swait.ge [sflag:s0], $0x1000  }
0x12c: {  	[sflag:s0] =	ssyncset.done $0x0  }
0x12d: {  	[sflag:s0] =	ssyncadd.s32 $0xFFFFF000  }
0x12e: {  	_ =	swait.ge [sflag:s15], $0x1000  }
0x12f: {  	[sflag:s15] =	ssyncset.done $0x0  }
0x130: {  	s23 =	simm.s32 $0x12840;
	s12 =	simm.s32 $0x0;
	[sflag:s15] =	ssyncadd.s32 $0xFFFFF000  }
0x131: {  	s13 =	simm.s32 $0x1;
	v5 =	vmov s12;
	v4 =	vld [tilespmem:s23+$0x20]  }
0x132: {  	v7 =	vmov s13;
	s14 =	simm.s32 $0x2;
	s12 =	simm.s32 $0xE840;
	v5 =	vand.u32 $0x7C, v5;
	v6 =	vld [tilespmem:s23+$0x0]  }
0x133: {  	v7 =	vand.u32 $0x7D, v7;
	v9 =	vmov s14;
	s17 =	simm.s32 $0x3;
	v11 =	vadd.s32 v0, v5;
	v10 =	vld [tilespmem:s12+$0xFFFFFFC0]  }
0x134: {  	v14 =	vadd.s32 v0, v7;
	v15 =	vand.u32 $0x7E, v9;
	v12 =	vmov s17;
	v13 =	vld [tilespmem:s12+$0xFFFFFFE0]  }
0x135: {  	v16 =	vadd.s32 v0, v15;
	v12 =	vand.u32 $0x7F, v12;
	v9 =	vld [tilespmem:s12+$0x0]  }
0x136: {  	v18 =	vadd.s32 v0, v12;
	v17 =	vld [tilespmem:s12+$0x20]  }
0x137: {  	v19 =	vld [tilespmem:s23+$0xFFFFFFC0]  }
0x138: {  	v8 =	vld [tilespmem:s23+$0xFFFFFFE0];
	[tilespmem:v11+s16+$0x0] =	vst.idx.msk $0xffff, v10  }
0x139: {  	[tilespmem:v14+s16+$0x0] =	vst.idx.msk $0xffff, v13  }
0x13a: {  	[tilespmem:v16+s16+$0x0] =	vst.idx.msk $0xffff, v9  }
0x13b: {  	[tilespmem:v18+s16+$0x0] =	vst.idx.msk $0xffff, v17  }
0x13c: {  	[tilespmem:v11+s18+$0x0] =	vst.idx.msk $0xffff, v19  }
0x13d: {  	[tilespmem:v14+s18+$0x0] =	vst.idx.msk $0xffff, v8  }
0x13e: {  	[tilespmem:v16+s18+$0x0] =	vst.idx.msk $0xffff, v6  }
0x13f: {  	[tilespmem:v18+s18+$0x0] =	vst.idx.msk $0xffff, v4  }
0x140: {  	v13 =	vld [tilespmem:s12+$0x30]  }
0x141: {  	v14 =	vld [tilespmem:s12+$0xFFFFFFF0]  }
0x142: {  	v4 =	vadd.s32 v1, v5;
	v17 =	vld [tilespmem:s12+$0xFFFFFFD0]  }
0x143: {  	v5 =	vadd.s32 v1, v7;
	v16 =	vld [tilespmem:s12+$0x10]  }
0x144: {  	v6 =	vadd.s32 v1, v15;
	v9 =	vld [tilespmem:s23+$0xFFFFFFD0]  }
0x145: {  	v7 =	vadd.s32 v1, v12;
	v10 =	vld [tilespmem:s23+$0xFFFFFFF0]  }
0x146: {  	v8 =	vld [tilespmem:s23+$0x30]  }
0x147: {  	v11 =	vld [tilespmem:s23+$0x10];
	[tilespmem:v4+s16+$0x0] =	vst.idx.msk $0xffff, v17  }
0x148: {  	[tilespmem:v5+s16+$0x0] =	vst.idx.msk $0xffff, v14  }
0x149: {  	[tilespmem:v6+s16+$0x0] =	vst.idx.msk $0xffff, v16  }
0x14a: {  	s14 =	simm.s32 $0x4;
	[tilespmem:v7+s16+$0x0] =	vst.idx.msk $0xffff, v13  }
.LBB2_11:
0x14b: {  	p1 =	sne.s32 s14, $0x7C;
	[tilespmem:v4+s18+$0x0] =	vst.idx.msk $0xffff, v9;
	s12 =	sadd.s32 $0x80, s12;
	s23 =	sadd.s32 $0x80, s23  }
0x14c: {  	s7 =	smov.u32 s14;
	s14 =	sadd.s32 $0x4, s14;
	[tilespmem:v5+s18+$0x0] =	vst.idx.msk $0xffff, v10  }
0x14d: {  	[tilespmem:v6+s18+$0x0] =	vst.idx.msk $0xffff, v11  }
0x14e: {  	[tilespmem:v7+s18+$0x0] =	vst.idx.msk $0xffff, v8  }
0x14f: {  	v4 =	vld [tilespmem:s23+$0x20]  }
0x150: {  	v5 =	vmov s7;
	s13 =	sadd.s32 $0x1, s7;
	v6 =	vld [tilespmem:s23+$0x0]  }
0x151: {  	v5 =	vand.u32 $0x7C, v5;
	v7 =	vmov s13;
	s13 =	sadd.s32 $0x2, s7;
	v8 =	vld [tilespmem:s23+$0xFFFFFFE0]  }
0x152: {  	s7 =	sadd.s32 $0x3, s7;
	v11 =	vadd.s32 v0, v5;
	v9 =	vmov s13;
	v7 =	vand.u32 $0x7D, v7;
	v10 =	vld [tilespmem:s12+$0xFFFFFFC0]  }
0x153: {  	v12 =	vmov s7;
	v14 =	vadd.s32 v0, v7;
	v15 =	vand.u32 $0x7E, v9;
	v13 =	vld [tilespmem:s12+$0xFFFFFFE0]  }
0x154: {  	v12 =	vand.u32 $0x7F, v12;
	v16 =	vadd.s32 v0, v15;
	v9 =	vld [tilespmem:s12+$0x0]  }
0x155: {  	v18 =	vadd.s32 v0, v12;
	v17 =	vld [tilespmem:s12+$0x20]  }
0x156: {  	v19 =	vld [tilespmem:s23+$0xFFFFFFC0]  }
0x157: {  	[tilespmem:v11+s16+$0x0] =	vst.idx.msk $0xffff, v10  }
0x158: {  	[tilespmem:v14+s16+$0x0] =	vst.idx.msk $0xffff, v13  }
0x159: {  	[tilespmem:v16+s16+$0x0] =	vst.idx.msk $0xffff, v9  }
0x15a: {  	[tilespmem:v18+s16+$0x0] =	vst.idx.msk $0xffff, v17  }
0x15b: {  	[tilespmem:v11+s18+$0x0] =	vst.idx.msk $0xffff, v19  }
0x15c: {  	[tilespmem:v14+s18+$0x0] =	vst.idx.msk $0xffff, v8  }
0x15d: {  	[tilespmem:v16+s18+$0x0] =	vst.idx.msk $0xffff, v6  }
0x15e: {  	[tilespmem:v18+s18+$0x0] =	vst.idx.msk $0xffff, v4  }
0x15f: {  	v13 =	vld [tilespmem:s12+$0x30]  }
0x160: {  	v14 =	vld [tilespmem:s12+$0xFFFFFFF0]  }
0x161: {  	v4 =	vadd.s32 v1, v5;
	v16 =	vld [tilespmem:s12+$0x10]  }
0x162: {  	v5 =	vadd.s32 v1, v7;
	v17 =	vld [tilespmem:s12+$0xFFFFFFD0]  }
0x163: {  	v6 =	vadd.s32 v1, v15;
	v9 =	vld [tilespmem:s23+$0xFFFFFFD0]  }
0x164: {  	v7 =	vadd.s32 v1, v12;
	v10 =	vld [tilespmem:s23+$0xFFFFFFF0]  }
0x165: {  	v8 =	vld [tilespmem:s23+$0x30]  }
.Ltmp4:
0x166: {  	v11 =	vld [tilespmem:s23+$0x10];
	(pc) =	sbr.rel @p1 .LBB2_11-.Ltmp4, $4  }
0x167: {  	[tilespmem:v4+s16+$0x0] =	vst.idx.msk $0xffff, v17  }
0x168: {  	[tilespmem:v5+s16+$0x0] =	vst.idx.msk $0xffff, v14  }
0x169: {  	[tilespmem:v6+s16+$0x0] =	vst.idx.msk $0xffff, v16  }
0x16a: {  	[tilespmem:v7+s16+$0x0] =	vst.idx.msk $0xffff, v13  }
0x16b: {  	_ =	sdelay $0x3  }
0x16c: {  	[tilespmem:v4+s18+$0x0] =	vst.idx.msk $0xffff, v9  }
0x16d: {  	[tilespmem:v5+s18+$0x0] =	vst.idx.msk $0xffff, v10  }
0x16e: {  	[tilespmem:v6+s18+$0x0] =	vst.idx.msk $0xffff, v11  }
0x16f: {  	s7 =	sadd.s32 @!p0 $0x300, s10;
	s12 =	simm.s32 @!p0 $0x80;
	s13 =	simm.s32 @!p0 $0xE800;
	[tilespmem:v7+s18+$0x0] =	vst.idx.msk $0xffff, v8  }
0x170: {  	[tilespmem:s13], [sflag:$0x3] =	stream.indirect.gather @!p0 [hbm4b:s5+s12], $0x20, s7, s12, $0xb8;
	[tilespmem:$0x1D000] =	vst v63  }
0x171: {  	s7 =	sadd.s32 @!p0 $0x6700, s10;
	s10 =	simm.s32 @!p0 $0x12800  }
0x172: {  	[tilespmem:s10], [sflag:$0x7] =	stream.indirect.gather @!p0 [hbm4b:s6+s12], $0x20, s7, s12, $0xb8;
	[tilespmem:$0x1D000] =	vst v63  }
0x173: {  	_ =	swait.ge [sflag:s20], $0x1000  }
0x174: {  	[sflag:s20] =	ssyncset.done $0x0  }
0x175: {  	[sflag:s20] =	ssyncadd.s32 $0xFFFFF000  }
0x176: {  	_ =	swait.ge [sflag:s21], $0x1000  }
0x177: {  	[sflag:s21] =	ssyncset.done $0x0  }
0x178: {  	s13 =	simm.s32 $0x0;
	s10 =	simm.s32 $0x13840;
	[sflag:s21] =	ssyncadd.s32 $0xFFFFF000  }
0x179: {  	s14 =	simm.s32 $0x1;
	v5 =	vmov s13;
	v4 =	vld [tilespmem:s10+$0x20]  }
0x17a: {  	s17 =	simm.s32 $0x2;
	v7 =	vmov s14;
	s12 =	simm.s32 $0xF840;
	v5 =	vand.u32 $0x7C, v5;
	v6 =	vld [tilespmem:s10+$0x0]  }
0x17b: {  	s23 =	simm.s32 $0x3;
	v9 =	vmov s17;
	v7 =	vand.u32 $0x7D, v7;
	v11 =	vadd.s32 v2, v5;
	v10 =	vld [tilespmem:s12+$0xFFFFFFC0]  }
0x17c: {  	v12 =	vmov s23;
	v15 =	vand.u32 $0x7E, v9;
	v14 =	vadd.s32 v2, v7;
	v13 =	vld [tilespmem:s12+$0xFFFFFFE0]  }
0x17d: {  	v12 =	vand.u32 $0x7F, v12;
	v16 =	vadd.s32 v2, v15;
	v9 =	vld [tilespmem:s12+$0x0]  }
0x17e: {  	v18 =	vadd.s32 v2, v12;
	v17 =	vld [tilespmem:s12+$0x20]  }
0x17f: {  	v19 =	vld [tilespmem:s10+$0xFFFFFFC0]  }
0x180: {  	v8 =	vld [tilespmem:s10+$0xFFFFFFE0];
	[tilespmem:v11+s16+$0x0] =	vst.idx.msk $0xffff, v10  }
0x181: {  	[tilespmem:v14+s16+$0x0] =	vst.idx.msk $0xffff, v13  }
0x182: {  	[tilespmem:v16+s16+$0x0] =	vst.idx.msk $0xffff, v9  }
0x183: {  	[tilespmem:v18+s16+$0x0] =	vst.idx.msk $0xffff, v17  }
0x184: {  	[tilespmem:v11+s18+$0x0] =	vst.idx.msk $0xffff, v19  }
0x185: {  	[tilespmem:v14+s18+$0x0] =	vst.idx.msk $0xffff, v8  }
0x186: {  	[tilespmem:v16+s18+$0x0] =	vst.idx.msk $0xffff, v6  }
0x187: {  	[tilespmem:v18+s18+$0x0] =	vst.idx.msk $0xffff, v4  }
0x188: {  	v13 =	vld [tilespmem:s12+$0x30]  }
0x189: {  	v14 =	vld [tilespmem:s12+$0xFFFFFFF0]  }
0x18a: {  	v4 =	vadd.s32 v3, v5;
	v17 =	vld [tilespmem:s12+$0xFFFFFFD0]  }
0x18b: {  	v5 =	vadd.s32 v3, v7;
	v16 =	vld [tilespmem:s12+$0x10]  }
0x18c: {  	v6 =	vadd.s32 v3, v15;
	v9 =	vld [tilespmem:s10+$0xFFFFFFD0]  }
0x18d: {  	v7 =	vadd.s32 v3, v12;
	v10 =	vld [tilespmem:s10+$0xFFFFFFF0]  }
0x18e: {  	v8 =	vld [tilespmem:s10+$0x30]  }
0x18f: {  	v11 =	vld [tilespmem:s10+$0x10];
	[tilespmem:v4+s16+$0x0] =	vst.idx.msk $0xffff, v17  }
0x190: {  	[tilespmem:v5+s16+$0x0] =	vst.idx.msk $0xffff, v14  }
0x191: {  	[tilespmem:v6+s16+$0x0] =	vst.idx.msk $0xffff, v16  }
0x192: {  	s14 =	simm.s32 $0x4;
	[tilespmem:v7+s16+$0x0] =	vst.idx.msk $0xffff, v13  }
.LBB2_13:
0x193: {  	p0 =	sne.s32 s14, $0x7C;
	[tilespmem:v4+s18+$0x0] =	vst.idx.msk $0xffff, v9;
	s12 =	sadd.s32 $0x80, s12;
	s10 =	sadd.s32 $0x80, s10  }
0x194: {  	s7 =	smov.u32 s14;
	s14 =	sadd.s32 $0x4, s14;
	[tilespmem:v5+s18+$0x0] =	vst.idx.msk $0xffff, v10  }
0x195: {  	[tilespmem:v6+s18+$0x0] =	vst.idx.msk $0xffff, v11  }
0x196: {  	[tilespmem:v7+s18+$0x0] =	vst.idx.msk $0xffff, v8  }
0x197: {  	v4 =	vld [tilespmem:s10+$0x20]  }
0x198: {  	v5 =	vmov s7;
	s13 =	sadd.s32 $0x1, s7;
	v6 =	vld [tilespmem:s10+$0x0]  }
0x199: {  	v5 =	vand.u32 $0x7C, v5;
	v7 =	vmov s13;
	s13 =	sadd.s32 $0x2, s7;
	v8 =	vld [tilespmem:s10+$0xFFFFFFE0]  }
0x19a: {  	s7 =	sadd.s32 $0x3, s7;
	v11 =	vadd.s32 v2, v5;
	v9 =	vmov s13;
	v7 =	vand.u32 $0x7D, v7;
	v10 =	vld [tilespmem:s12+$0xFFFFFFC0]  }
0x19b: {  	v12 =	vmov s7;
	v14 =	vadd.s32 v2, v7;
	v15 =	vand.u32 $0x7E, v9;
	v13 =	vld [tilespmem:s12+$0xFFFFFFE0]  }
0x19c: {  	v12 =	vand.u32 $0x7F, v12;
	v16 =	vadd.s32 v2, v15;
	v9 =	vld [tilespmem:s12+$0x0]  }
0x19d: {  	v18 =	vadd.s32 v2, v12;
	v17 =	vld [tilespmem:s12+$0x20]  }
0x19e: {  	v19 =	vld [tilespmem:s10+$0xFFFFFFC0]  }
0x19f: {  	[tilespmem:v11+s16+$0x0] =	vst.idx.msk $0xffff, v10  }
0x1a0: {  	[tilespmem:v14+s16+$0x0] =	vst.idx.msk $0xffff, v13  }
0x1a1: {  	[tilespmem:v16+s16+$0x0] =	vst.idx.msk $0xffff, v9  }
0x1a2: {  	[tilespmem:v18+s16+$0x0] =	vst.idx.msk $0xffff, v17  }
0x1a3: {  	[tilespmem:v11+s18+$0x0] =	vst.idx.msk $0xffff, v19  }
0x1a4: {  	[tilespmem:v14+s18+$0x0] =	vst.idx.msk $0xffff, v8  }
0x1a5: {  	[tilespmem:v16+s18+$0x0] =	vst.idx.msk $0xffff, v6  }
0x1a6: {  	[tilespmem:v18+s18+$0x0] =	vst.idx.msk $0xffff, v4  }
0x1a7: {  	v13 =	vld [tilespmem:s12+$0x30]  }
0x1a8: {  	v14 =	vld [tilespmem:s12+$0xFFFFFFF0]  }
0x1a9: {  	v4 =	vadd.s32 v3, v5;
	v16 =	vld [tilespmem:s12+$0x10]  }
0x1aa: {  	v5 =	vadd.s32 v3, v7;
	v17 =	vld [tilespmem:s12+$0xFFFFFFD0]  }
0x1ab: {  	v6 =	vadd.s32 v3, v15;
	v9 =	vld [tilespmem:s10+$0xFFFFFFD0]  }
0x1ac: {  	v7 =	vadd.s32 v3, v12;
	v10 =	vld [tilespmem:s10+$0xFFFFFFF0]  }
0x1ad: {  	v8 =	vld [tilespmem:s10+$0x30]  }
.Ltmp5:
0x1ae: {  	v11 =	vld [tilespmem:s10+$0x10];
	(pc) =	sbr.rel @p0 .LBB2_13-.Ltmp5, $4  }
0x1af: {  	[tilespmem:v4+s16+$0x0] =	vst.idx.msk $0xffff, v17  }
0x1b0: {  	[tilespmem:v5+s16+$0x0] =	vst.idx.msk $0xffff, v14  }
0x1b1: {  	[tilespmem:v6+s16+$0x0] =	vst.idx.msk $0xffff, v16  }
0x1b2: {  	[tilespmem:v7+s16+$0x0] =	vst.idx.msk $0xffff, v13  }
0x1b3: {  	_ =	sdelay $0x3  }
0x1b4: {  	[tilespmem:v4+s18+$0x0] =	vst.idx.msk $0xffff, v9  }
0x1b5: {  	[tilespmem:v5+s18+$0x0] =	vst.idx.msk $0xffff, v10  }
0x1b6: {  	s10 =	sor.u32 $0x8000, s22;
	[tilespmem:v6+s18+$0x0] =	vst.idx.msk $0xffff, v11  }
0x1b7: {  	s7 =	simm.s32 $0x16A00;
	s14 =	sadd.s32 s2, s10;
	[tilespmem:v7+s18+$0x0] =	vst.idx.msk $0xffff, v8  }
0x1b8: {  	[hbm4b:s14+s4] =	stream.linear.scatter [tilespmem:s7], [sflag:$0xA], $0x80, $0x38;
	[tilespmem:$0x1D000] =	vst v63  }
0x1b9: {  	s17 =	simm.s32 $0x16A88;
	s12 =	sadd.s32 $0x10, s14  }
0x1ba: {  	[hbm4b:s12+s4] =	stream.linear.scatter [tilespmem:s17], [sflag:$0xA], $0x80, $0x38;
	[tilespmem:$0x1D000] =	vst v63  }
0x1bb: {  	s22 =	simm.s32 $0x16B10;
	s23 =	sadd.s32 $0x20, s14  }
0x1bc: {  	[hbm4b:s23+s4] =	stream.linear.scatter [tilespmem:s22], [sflag:$0xA], $0x80, $0x38;
	[tilespmem:$0x1D000] =	vst v63  }
0x1bd: {  	s13 =	simm.s32 $0x16B98;
	s17 =	sadd.s32 $0x30, s14  }
0x1be: {  	[hbm4b:s17+s4] =	stream.linear.scatter [tilespmem:s13], [sflag:$0xA], $0x80, $0x38;
	[tilespmem:$0x1D000] =	vst v63  }
0x1bf: {  	s22 =	simm.s32 $0x16C20;
	s23 =	sadd.s32 $0x40, s14  }
0x1c0: {  	[hbm4b:s23+s4] =	stream.linear.scatter [tilespmem:s22], [sflag:$0xA], $0x80, $0x38;
	[tilespmem:$0x1D000] =	vst v63  }
0x1c1: {  	s7 =	sadd.s32 $0x70, s14;
	s13 =	simm.s32 $0x16CA8;
	s17 =	sadd.s32 $0x50, s14  }
0x1c2: {  	[hbm4b:s17+s4] =	stream.linear.scatter [tilespmem:s13], [sflag:$0xA], $0x80, $0x38;
	[tilespmem:$0x1D000] =	vst v63  }
0x1c3: {  	s12 =	simm.s32 $0x440;
	s22 =	simm.s32 $0x16D30;
	s23 =	sadd.s32 $0x60, s14  }
0x1c4: {  	[hbm4b:s23+s4] =	stream.linear.scatter [tilespmem:s22], [sflag:$0xA], $0x80, $0x38;
	[tilespmem:$0x1D000] =	vst v63  }
0x1c5: {  	s14 =	sadd.s32 $0x1000, s14;
	s13 =	simm.s32 $0x16DB8;
	s22 =	simm.s32 $0x2200  }
.LBB2_15:
0x1c6: {  	[hbm4b:s7+s4] =	stream.linear.scatter [tilespmem:s13], [sflag:$0xA], $0x80, $0x38;
	[tilespmem:$0x1D000] =	vst v63  }
0x1c7: {  	s7 =	smov.u32 s12;
	s12 =	smov.u32 s22  }
0x1c8: {  	s17 =	sadd.s32 $0x1100, s22;
	s12 =	sshra.s32 s12, $0x2;
	s13 =	sadd.s32 $0x16A00, s7  }
0x1c9: {  	[hbm4b:s14+s4] =	stream.linear.scatter [tilespmem:s13], [sflag:$0xA], $0x80, $0x38;
	[tilespmem:$0x1D000] =	vst v63  }
0x1ca: {  	p0 =	sne.s32 s22, $0x7700;
	s22 =	sadd.s32 $0x10, s14;
	s13 =	sadd.s32 $0x16A88, s7  }
0x1cb: {  	[hbm4b:s22+s4] =	stream.linear.scatter [tilespmem:s13], [sflag:$0xA], $0x80, $0x38;
	[tilespmem:$0x1D000] =	vst v63  }
0x1cc: {  	s13 =	sadd.s32 $0x16B10, s7;
	s22 =	sadd.s32 $0x20, s14  }
0x1cd: {  	[hbm4b:s22+s4] =	stream.linear.scatter [tilespmem:s13], [sflag:$0xA], $0x80, $0x38;
	[tilespmem:$0x1D000] =	vst v63  }
0x1ce: {  	s13 =	sadd.s32 $0x16B98, s7;
	s22 =	sadd.s32 $0x30, s14  }
0x1cf: {  	[hbm4b:s22+s4] =	stream.linear.scatter [tilespmem:s13], [sflag:$0xA], $0x80, $0x38;
	[tilespmem:$0x1D000] =	vst v63  }
0x1d0: {  	s13 =	sadd.s32 $0x16C20, s7;
	s22 =	sadd.s32 $0x40, s14  }
0x1d1: {  	[hbm4b:s22+s4] =	stream.linear.scatter [tilespmem:s13], [sflag:$0xA], $0x80, $0x38;
	[tilespmem:$0x1D000] =	vst v63  }
0x1d2: {  	s13 =	sadd.s32 $0x16CA8, s7;
	s22 =	sadd.s32 $0x50, s14  }
0x1d3: {  	[hbm4b:s22+s4] =	stream.linear.scatter [tilespmem:s13], [sflag:$0xA], $0x80, $0x38;
	[tilespmem:$0x1D000] =	vst v63  }
.Ltmp6:
0x1d4: {  	_ = 	snop;
	(pc) =	sbr.rel @p0 .LBB2_15-.Ltmp6, $4  }
0x1d5: {  	s13 =	sadd.s32 $0x16D30, s7;
	s22 =	sadd.s32 $0x60, s14  }
0x1d6: {  	[hbm4b:s22+s4] =	stream.linear.scatter [tilespmem:s13], [sflag:$0xA], $0x80, $0x38;
	[tilespmem:$0x1D000] =	vst v63  }
0x1d7: {  	s13 =	sadd.s32 $0x16DB8, s7  }
0x1d8: {  	s7 =	sadd.s32 $0x70, s14;
	s14 =	sadd.s32 $0x1000, s14;
	s22 =	smov.u32 s17  }
0x1d9: {  	[hbm4b:s7+s4] =	stream.linear.scatter [tilespmem:s13], [sflag:$0xA], $0x80, $0x38;
	[tilespmem:$0x1D000] =	vst v63  }
0x1da: {  	s17 =	sadd.s32 $0x16A00, s12  }
0x1db: {  	[hbm4b:s14+s4] =	stream.linear.scatter [tilespmem:s17], [sflag:$0xA], $0x80, $0x38;
	[tilespmem:$0x1D000] =	vst v63  }
0x1dc: {  	s22 =	sadd.s32 $0x16A88, s12;
	s23 =	sadd.s32 $0x10, s14  }
0x1dd: {  	[hbm4b:s23+s4] =	stream.linear.scatter [tilespmem:s22], [sflag:$0xA], $0x80, $0x38;
	[tilespmem:$0x1D000] =	vst v63  }
0x1de: {  	s13 =	sadd.s32 $0x16B10, s12;
	s17 =	sadd.s32 $0x20, s14  }
0x1df: {  	[hbm4b:s17+s4] =	stream.linear.scatter [tilespmem:s13], [sflag:$0xA], $0x80, $0x38;
	[tilespmem:$0x1D000] =	vst v63  }
0x1e0: {  	s22 =	sadd.s32 $0x16B98, s12;
	s23 =	sadd.s32 $0x30, s14  }
0x1e1: {  	[hbm4b:s23+s4] =	stream.linear.scatter [tilespmem:s22], [sflag:$0xA], $0x80, $0x38;
	[tilespmem:$0x1D000] =	vst v63  }
0x1e2: {  	s13 =	sadd.s32 $0x16C20, s12;
	s17 =	sadd.s32 $0x40, s14  }
0x1e3: {  	[hbm4b:s17+s4] =	stream.linear.scatter [tilespmem:s13], [sflag:$0xA], $0x80, $0x38;
	[tilespmem:$0x1D000] =	vst v63  }
0x1e4: {  	s22 =	sadd.s32 $0x16CA8, s12;
	s23 =	sadd.s32 $0x50, s14  }
0x1e5: {  	[hbm4b:s23+s4] =	stream.linear.scatter [tilespmem:s22], [sflag:$0xA], $0x80, $0x38;
	[tilespmem:$0x1D000] =	vst v63  }
0x1e6: {  	s13 =	sadd.s32 $0x16D30, s12;
	s17 =	sadd.s32 $0x60, s14  }
0x1e7: {  	[hbm4b:s17+s4] =	stream.linear.scatter [tilespmem:s13], [sflag:$0xA], $0x80, $0x38;
	[tilespmem:$0x1D000] =	vst v63  }
0x1e8: {  	s22 =	sadd.s32 $0x16DB8, s12;
	s23 =	sadd.s32 $0x70, s14  }
0x1e9: {  	[hbm4b:s23+s4] =	stream.linear.scatter [tilespmem:s22], [sflag:$0xA], $0x80, $0x38;
	[tilespmem:$0x1D000] =	vst v63  }
0x1ea: {  	s12 =	sadd.s32 s3, s10;
	s10 =	simm.s32 $0x1AE00  }
0x1eb: {  	[hbm4b:s12+s4] =	stream.linear.scatter [tilespmem:s10], [sflag:$0xC], $0x80, $0x38;
	[tilespmem:$0x1D000] =	vst v63  }
0x1ec: {  	s13 =	simm.s32 $0x1AE88;
	s10 =	sadd.s32 $0x10, s12  }
0x1ed: {  	[hbm4b:s10+s4] =	stream.linear.scatter [tilespmem:s13], [sflag:$0xC], $0x80, $0x38;
	[tilespmem:$0x1D000] =	vst v63  }
0x1ee: {  	s14 =	simm.s32 $0x1AF10;
	s7 =	sadd.s32 $0x70, s12;
	s17 =	sadd.s32 $0x20, s12  }
0x1ef: {  	[hbm4b:s17+s4] =	stream.linear.scatter [tilespmem:s14], [sflag:$0xC], $0x80, $0x38;
	[tilespmem:$0x1D000] =	vst v63  }
0x1f0: {  	s22 =	simm.s32 $0x1AF98;
	s23 =	sadd.s32 $0x30, s12;
	s10 =	simm.s32 $0x1B020  }
0x1f1: {  	[hbm4b:s23+s4] =	stream.linear.scatter [tilespmem:s22], [sflag:$0xC], $0x80, $0x38;
	[tilespmem:$0x1D000] =	vst v63  }
0x1f2: {  	s13 =	sadd.s32 $0x40, s12;
	s14 =	simm.s32 $0x1B0A8;
	s17 =	sadd.s32 $0x50, s12  }
0x1f3: {  	[hbm4b:s13+s4] =	stream.linear.scatter [tilespmem:s10], [sflag:$0xC], $0x80, $0x38;
	[tilespmem:$0x1D000] =	vst v63  }
0x1f4: {  	s22 =	simm.s32 $0x1B130;
	s23 =	sadd.s32 $0x60, s12;
	s12 =	sadd.s32 $0x1000, s12  }
0x1f5: {  	[hbm4b:s17+s4] =	stream.linear.scatter [tilespmem:s14], [sflag:$0xC], $0x80, $0x38;
	[tilespmem:$0x1D000] =	vst v63  }
0x1f6: {  	s10 =	simm.s32 $0x440;
	s13 =	simm.s32 $0x1B1B8;
	s14 =	simm.s32 $0x2200  }
0x1f7: {  	[hbm4b:s23+s4] =	stream.linear.scatter [tilespmem:s22], [sflag:$0xC], $0x80, $0x38;
	[tilespmem:$0x1D000] =	vst v63  }
.LBB2_17:
0x1f8: {  	[hbm4b:s7+s4] =	stream.linear.scatter [tilespmem:s13], [sflag:$0xC], $0x80, $0x38;
	[tilespmem:$0x1D000] =	vst v63  }
0x1f9: {  	s7 =	smov.u32 s10;
	s10 =	smov.u32 s14  }
0x1fa: {  	s17 =	sadd.s32 $0x1100, s14;
	s10 =	sshra.s32 s10, $0x2;
	s13 =	sadd.s32 $0x1AE00, s7  }
0x1fb: {  	[hbm4b:s12+s4] =	stream.linear.scatter [tilespmem:s13], [sflag:$0xC], $0x80, $0x38;
	[tilespmem:$0x1D000] =	vst v63  }
0x1fc: {  	p0 =	sne.s32 s14, $0x7700;
	s14 =	sadd.s32 $0x10, s12;
	s13 =	sadd.s32 $0x1AE88, s7  }
0x1fd: {  	[hbm4b:s14+s4] =	stream.linear.scatter [tilespmem:s13], [sflag:$0xC], $0x80, $0x38;
	[tilespmem:$0x1D000] =	vst v63  }
0x1fe: {  	s13 =	sadd.s32 $0x1AF10, s7;
	s14 =	sadd.s32 $0x20, s12  }
0x1ff: {  	[hbm4b:s14+s4] =	stream.linear.scatter [tilespmem:s13], [sflag:$0xC], $0x80, $0x38;
	[tilespmem:$0x1D000] =	vst v63  }
0x200: {  	s13 =	sadd.s32 $0x1AF98, s7;
	s14 =	sadd.s32 $0x30, s12  }
0x201: {  	[hbm4b:s14+s4] =	stream.linear.scatter [tilespmem:s13], [sflag:$0xC], $0x80, $0x38;
	[tilespmem:$0x1D000] =	vst v63  }
0x202: {  	s13 =	sadd.s32 $0x1B020, s7;
	s14 =	sadd.s32 $0x40, s12  }
0x203: {  	[hbm4b:s14+s4] =	stream.linear.scatter [tilespmem:s13], [sflag:$0xC], $0x80, $0x38;
	[tilespmem:$0x1D000] =	vst v63  }
0x204: {  	s13 =	sadd.s32 $0x1B0A8, s7;
	s14 =	sadd.s32 $0x50, s12  }
0x205: {  	[hbm4b:s14+s4] =	stream.linear.scatter [tilespmem:s13], [sflag:$0xC], $0x80, $0x38;
	[tilespmem:$0x1D000] =	vst v63  }
.Ltmp7:
0x206: {  	_ = 	snop;
	(pc) =	sbr.rel @p0 .LBB2_17-.Ltmp7, $4  }
0x207: {  	s13 =	sadd.s32 $0x1B130, s7;
	s14 =	sadd.s32 $0x60, s12  }
0x208: {  	[hbm4b:s14+s4] =	stream.linear.scatter [tilespmem:s13], [sflag:$0xC], $0x80, $0x38;
	[tilespmem:$0x1D000] =	vst v63  }
0x209: {  	s13 =	sadd.s32 $0x1B1B8, s7  }
0x20a: {  	s7 =	sadd.s32 $0x70, s12;
	s12 =	sadd.s32 $0x1000, s12;
	s14 =	smov.u32 s17  }
0x20b: {  	[hbm4b:s7+s4] =	stream.linear.scatter [tilespmem:s13], [sflag:$0xC], $0x80, $0x38;
	[tilespmem:$0x1D000] =	vst v63  }
0x20c: {  	s17 =	sadd.s32 $0x1AE00, s10  }
0x20d: {  	[hbm4b:s12+s4] =	stream.linear.scatter [tilespmem:s17], [sflag:$0xC], $0x80, $0x38;
	[tilespmem:$0x1D000] =	vst v63  }
0x20e: {  	s22 =	sadd.s32 $0x1AE88, s10;
	s23 =	sadd.s32 $0x10, s12  }
0x20f: {  	[hbm4b:s23+s4] =	stream.linear.scatter [tilespmem:s22], [sflag:$0xC], $0x80, $0x38;
	[tilespmem:$0x1D000] =	vst v63  }
0x210: {  	s14 =	sadd.s32 $0x1AF10, s10;
	s17 =	sadd.s32 $0x20, s12  }
0x211: {  	[hbm4b:s17+s4] =	stream.linear.scatter [tilespmem:s14], [sflag:$0xC], $0x80, $0x38;
	[tilespmem:$0x1D000] =	vst v63  }
0x212: {  	s22 =	sadd.s32 $0x1AF98, s10;
	s23 =	sadd.s32 $0x30, s12  }
0x213: {  	[hbm4b:s23+s4] =	stream.linear.scatter [tilespmem:s22], [sflag:$0xC], $0x80, $0x38;
	[tilespmem:$0x1D000] =	vst v63  }
0x214: {  	s8 =	sadd.s32 $0x1, s8;
	s14 =	sadd.s32 $0x1B020, s10;
	s17 =	sadd.s32 $0x40, s12  }
0x215: {  	[hbm4b:s17+s4] =	stream.linear.scatter [tilespmem:s14], [sflag:$0xC], $0x80, $0x38;
	[tilespmem:$0x1D000] =	vst v63  }
0x216: {  	p0 =	sne.s32 s8, $0x32;
	s22 =	sadd.s32 $0x1B0A8, s10;
	s23 =	sadd.s32 $0x50, s12  }
0x217: {  	[hbm4b:s23+s4] =	stream.linear.scatter [tilespmem:s22], [sflag:$0xC], $0x80, $0x38;
	[tilespmem:$0x1D000] =	vst v63  }
.Ltmp8:
0x218: {  	_ = 	snop;
	(pc) =	sbr.rel @p0 .LBB2_2-.Ltmp8, $4  }
0x219: {  	s14 =	sadd.s32 $0x1B130, s10;
	s17 =	sadd.s32 $0x60, s12  }
0x21a: {  	[hbm4b:s17+s4] =	stream.linear.scatter [tilespmem:s14], [sflag:$0xC], $0x80, $0x38;
	[tilespmem:$0x1D000] =	vst v63  }
0x21b: {  	s22 =	sadd.s32 $0x1B1B8, s10;
	s23 =	sadd.s32 $0x70, s12  }
0x21c: {  	[hbm4b:s23+s4] =	stream.linear.scatter [tilespmem:s22], [sflag:$0xC], $0x80, $0x38;
	[tilespmem:$0x1D000] =	vst v63  }
0x21d: {  	s7 =	simm.s32 $0x9  }
0x21e: {  	_ =	swait.ge [sflag:s7], $0x2000  }
0x21f: {  	[sflag:s7] =	ssyncset.done $0x0  }
0x220: {  	s17 =	simm.s32 $0xB;
	[sflag:s7] =	ssyncadd.s32 $0xFFFFE000  }
0x221: {  	_ =	swait.ge [sflag:s17], $0x2000  }
0x222: {  	[sflag:s17] =	ssyncset.done $0x0  }
0x223: {  	s22 =	simm.s32 $0xA;
	[sflag:s17] =	ssyncadd.s32 $0xFFFFE000  }
0x224: {  	_ =	swait.ge [sflag:s22], $0x2000  }
0x225: {  	[sflag:s22] =	ssyncset.done $0x0  }
0x226: {  	s8 =	simm.s32 $0xC;
	[sflag:s22] =	ssyncadd.s32 $0xFFFFE000  }
0x227: {  	_ =	swait.ge [sflag:s8], $0x2000  }
0x228: {  	s10 =	rddreg [dreg:$0x7]  }
0x229: {  	s23 =	rddreg [dreg:$0x6];
	s10 =	sadd.s32 $0x1, s10  }
0x22a: {  	p0 =	sne.s32 s10, s23  }
.Ltmp9:
0x22b: {  	_ = 	snop;
	(pc) =	sbr.rel @p0 .LBB2_1-.Ltmp9, $3  }
0x22c: {  	_ =	sdelay $0x1  }
0x22d: {  	[sflag:s8] =	ssyncset.done $0x0  }
0x22e: {  	[sflag:s8] =	ssyncadd.s32 $0xFFFFE000  }
0x22f: {  	_ =	sfence.sel $0x180000  }
0x230: {  	[bflag:$0x0] =	sbarrier.arrive $0xFFFF  }
0x231: {  	_ =	strace $0x90000047  }
0x232: {  	s0 =	stileid.u32;
	[bflag:$0x2] =	sbarrier.arrive $0xFFFF  }
0x233: {  	p0 =	sne.s32 s0, $0x0;
	s0 =	rddreg [dreg:$0x3]  }
0x234: {  	s0 =	sadd.s32 @!p0 $0x100000, s0  }
0x235: {  	[sflag:s0] =	ssyncadd.tile.s32 @!p0 $0x1;
	_ =	shalt  }
.Lfunc_end2:
_tile_overlayer_lowered:
.L_overlay_start_2:
0x236: {  	(tag) =	ssettag $0x2  }
0x237: {  	s0 =	rddreg [dreg:$0x0];
	s2 =	stileid.u32  }
0x238: {  	s1 =	rddreg [dreg:$0x1];
	p0 =	sne.s32 s2, $0x0  }
0x239: {  	s3 =	rddreg [dreg:$0x2];
	[bflag:$0x3] =	sbarrier.arrive $0xFFFF;
	s2 =	simm.s32 @!p0 $0x1C0D  }
0x23a: {  	[timem:s3], [sflag:s2] =	dma.local @!p0 [hbm:s0], s1  }
0x23b: {  	s0 =	simm.s32 @!p0 $0xD  }
0x23c: {  	_ =	swait.ge @!p0 [sflag:s0], s1  }
0x23d: {  	s1 =	ssub.s32 @!p0 $0x0, s1;
	[sflag:s0] =	ssyncset.done @!p0 $0x0  }
0x23e: {  	[sflag:s0] =	ssyncadd.s32 @!p0 s1  }
0x23f: {  	[bflag:$0x3] =	sbarrier.arrive $0xFFFF  }
0x240: {  	_ =	shalt  }

</sc_bundles>
